<compile_context>
chip_gen: v7x
topology: tpu7x:2x2x1
jax: 0.10.2.dev20260603
libtpu: 0.0.44.dev20260713+nightly
codegen_flags: <defaults>
</compile_context>

<pallas_src>
import functools

import jax
import jax.numpy as jnp
from jax import lax
from jax.experimental import pallas as pl
from jax.experimental.pallas import tpu as pltpu
from jax.experimental.pallas import tpu_sc as plsc

T = 128
TR = 1024
GP = 128
NC = 2
NS = 16
NW = NC * NS


def _router_body(x_ref, rw_ref, rb_ref, gate_ref, idx_ref, rank_ref,
                 off_ref, sb_ref, se_ref, act_ref, cnt_ref,
                 *, nblk, n_exp, nb_ffn):
    step = pl.program_id(0)

    @pl.when(step == 0)
    def _():
        cnt_ref[...] = jnp.zeros_like(cnt_ref)

    logits = jnp.dot(x_ref[...], rw_ref[...],
                     preferred_element_type=jnp.float32) + rb_ref[...]
    m = jnp.max(logits, axis=1, keepdims=True)
    lane = lax.broadcasted_iota(jnp.int32, logits.shape, 1)
    eidx = jnp.min(jnp.where(logits == m, lane, n_exp), axis=1)
    gate_ref[0, 0, :] = 1.0 / jnp.sum(jnp.exp(logits - m), axis=1)
    idx_ref[0, 0, :] = eidx

    onehot = (eidx[:, None] == lax.broadcasted_iota(
        jnp.int32, (logits.shape[0], n_exp), 1)).astype(jnp.float32)
    rr = lax.broadcasted_iota(jnp.int32, (logits.shape[0],) * 2, 0)
    cc = lax.broadcasted_iota(jnp.int32, (logits.shape[0],) * 2, 1)
    tri = (rr > cc).astype(jnp.float32)
    prefix = jnp.dot(tri, onehot, preferred_element_type=jnp.float32)
    carry = cnt_ref[0:1, :]
    rank = jnp.sum(onehot * (carry + prefix), axis=1)
    rank_ref[0, 0, :] = rank.astype(jnp.int32)
    new_cnt = carry + jnp.sum(onehot, axis=0, keepdims=True)
    cnt_ref[0:1, :] = new_cnt

    @pl.when(step == nblk - 1)
    def _():
        cnt_row = jnp.concatenate(
            [new_cnt, jnp.zeros((1, GP - n_exp), jnp.float32)], axis=1)
        ui = lax.broadcasted_iota(jnp.int32, (GP, GP), 0)
        uj = lax.broadcasted_iota(jnp.int32, (GP, GP), 1)
        upper = (ui < uj).astype(jnp.float32)
        off_row = jnp.dot(cnt_row, upper,
                          preferred_element_type=jnp.float32)
        off_ref[0, :] = off_row[0].astype(jnp.int32)
        ends_row = off_row + cnt_row
        bs_col = (lax.broadcasted_iota(jnp.int32, (nb_ffn, 1), 0)
                  .astype(jnp.float32) * float(T))
        blo_col = jnp.sum((ends_row <= bs_col).astype(jnp.float32),
                          axis=1, keepdims=True)
        bhi_col = jnp.sum((ends_row <= bs_col + float(T - 1)).astype(
            jnp.float32), axis=1, keepdims=True)
        nb_col = bhi_col - blo_col + 1.0
        li = lax.broadcasted_iota(jnp.int32, (nb_ffn, nb_ffn), 0)
        lj = lax.broadcasted_iota(jnp.int32, (nb_ffn, nb_ffn), 1)
        lower = (li > lj).astype(jnp.float32)
        cumstart_col = jnp.dot(lower, nb_col,
                               preferred_element_type=jnp.float32)
        total = jnp.sum(nb_col)
        si_row = lax.broadcasted_iota(jnp.int32, (1, GP), 1).astype(
            jnp.float32)
        mask3 = (cumstart_col <= si_row).astype(jnp.float32)
        b_of = jnp.dot(jnp.ones((1, nb_ffn), jnp.float32), mask3,
                       preferred_element_type=jnp.float32) - 1.0
        oh_bt = (b_of == lax.broadcasted_iota(
            jnp.int32, (nb_ffn, 1), 0).astype(jnp.float32)).astype(
            jnp.float32)
        tdims = (((0,), (0,)), ((), ()))
        blo_of = lax.dot_general(blo_col, oh_bt, tdims,
                                 preferred_element_type=jnp.float32)
        cs_of = lax.dot_general(cumstart_col, oh_bt, tdims,
                                preferred_element_type=jnp.float32)
        bhi_of = lax.dot_general(bhi_col, oh_bt, tdims,
                                 preferred_element_type=jnp.float32)
        e_of = jnp.minimum(blo_of + si_row - cs_of, bhi_of)
        sb_ref[0, :] = b_of[0].astype(jnp.int32)
        se_ref[0, :] = e_of[0].astype(jnp.int32)
        act_ref[0, :] = (si_row[0] < total).astype(jnp.int32)


def _run_router(x2, router_w, router_b):
    n, d = x2.shape
    e = router_w.shape[1]
    nblk = n // TR
    body = functools.partial(_router_body, nblk=nblk, n_exp=e,
                             nb_ffn=n // T)
    gate3, idx3, rank3, off, sb, se, act = pl.pallas_call(
        body,
        grid=(nblk,),
        in_specs=[
            pl.BlockSpec((TR, d), lambda i: (i, 0)),
            pl.BlockSpec((d, e), lambda i: (0, 0)),
            pl.BlockSpec((1, e), lambda i: (0, 0)),
        ],
        out_specs=[
            pl.BlockSpec((1, 1, TR), lambda i: (i, 0, 0)),
            pl.BlockSpec((1, 1, TR), lambda i: (i, 0, 0)),
            pl.BlockSpec((1, 1, TR), lambda i: (i, 0, 0)),
            pl.BlockSpec((1, GP), lambda i: (0, 0)),
            pl.BlockSpec((1, GP), lambda i: (0, 0)),
            pl.BlockSpec((1, GP), lambda i: (0, 0)),
            pl.BlockSpec((1, GP), lambda i: (0, 0)),
        ],
        out_shape=[
            jax.ShapeDtypeStruct((nblk, 1, TR), jnp.float32),
            jax.ShapeDtypeStruct((nblk, 1, TR), jnp.int32),
            jax.ShapeDtypeStruct((nblk, 1, TR), jnp.int32),
            jax.ShapeDtypeStruct((1, GP), jnp.int32),
            jax.ShapeDtypeStruct((1, GP), jnp.int32),
            jax.ShapeDtypeStruct((1, GP), jnp.int32),
            jax.ShapeDtypeStruct((1, GP), jnp.int32),
        ],
        scratch_shapes=[pltpu.VMEM((8, e), jnp.float32)],
        compiler_params=pltpu.CompilerParams(
            dimension_semantics=("arbitrary",)),
    )(x2, router_w, router_b.reshape(1, e))
    return (gate3.reshape(n), idx3.reshape(n), rank3.reshape(n),
            off.reshape(GP), sb.reshape(GP), se.reshape(GP), act.reshape(GP))


def _ffn_body(sb_ref, se_ref, act_ref, off_ref,
                   x_ref, w1_ref, b1_ref, w2_ref, b2_ref, y_ref):
    i = pl.program_id(0)
    b = sb_ref[i]
    prev_b = sb_ref[jnp.maximum(i - 1, 0)]
    is_first = jnp.logical_or(i == 0, prev_b != b)

    @pl.when(is_first)
    def _():
        y_ref[...] = jnp.zeros_like(y_ref)

    @pl.when(act_ref[i] == 1)
    def _():
        e = se_ref[i]
        xb = x_ref[...]
        pre = jnp.dot(xb, w1_ref[0],
                      preferred_element_type=jnp.float32) + b1_ref[0]
        h = pre * (1.0 / (1.0 + jnp.exp(-pre)))
        y = jnp.dot(h, w2_ref[0],
                    preferred_element_type=jnp.float32) + b2_ref[0]
        row = b * T + lax.broadcasted_iota(jnp.int32, y.shape, 0)
        lo = off_ref[e]
        hi = off_ref[e + 1]
        mask = jnp.logical_and(row >= lo, row < hi)
        y_ref[...] += jnp.where(mask, y, 0.0)


def _run_ffn(sb, se, act, off, xs, w1, b1, w2, b2):
    n, d = xs.shape
    e, _, h = w1.shape
    nblk = n // T
    grid_len = nblk + e - 1
    grid_spec = pltpu.PrefetchScalarGridSpec(
        num_scalar_prefetch=4,
        grid=(grid_len,),
        in_specs=[
            pl.BlockSpec((T, d), lambda i, sb, se, act, off: (sb[i], 0)),
            pl.BlockSpec((1, d, h), lambda i, sb, se, act, off: (se[i], 0, 0)),
            pl.BlockSpec((1, 1, h), lambda i, sb, se, act, off: (se[i], 0, 0)),
            pl.BlockSpec((1, h, d), lambda i, sb, se, act, off: (se[i], 0, 0)),
            pl.BlockSpec((1, 1, d), lambda i, sb, se, act, off: (se[i], 0, 0)),
        ],
        out_specs=pl.BlockSpec((T, d), lambda i, sb, se, act, off: (sb[i], 0)),
    )
    return pl.pallas_call(
        _ffn_body,
        grid_spec=grid_spec,
        out_shape=jax.ShapeDtypeStruct((n, d), jnp.float32),
        compiler_params=pltpu.CompilerParams(
            dimension_semantics=("arbitrary",)),
    )(sb, se, act, off, xs, w1, b1.reshape(e, 1, h), w2, b2.reshape(e, 1, d))


def _run_dispatch(x2, idx, rank, off):
    n, d = x2.shape
    tpw = n // NW

    @functools.partial(
        pl.kernel,
        mesh=plsc.VectorSubcoreMesh(core_axis_name="c", subcore_axis_name="s",
                                    num_cores=NC),
        out_type=[jax.ShapeDtypeStruct((n, d), jnp.float32),
                  jax.ShapeDtypeStruct((n,), jnp.int32)],
        scratch_types=[
            pltpu.VMEM((tpw,), jnp.int32),
            pltpu.VMEM((tpw,), jnp.int32),
            pltpu.VMEM((GP,), jnp.int32),
            pltpu.VMEM((tpw,), jnp.int32),
            pltpu.VMEM((tpw, d), jnp.float32),
            pltpu.SemaphoreType.DMA,
        ],
        compiler_params=pltpu.CompilerParams(needs_layout_passes=False),
    )
    def dispatch(x_hbm, idx_hbm, rank_hbm, off_hbm, xs_hbm, pos_hbm,
                 idx_v, rank_v, off_v, pos_v, rows_v, sem):
        wid = lax.axis_index("s") * NC + lax.axis_index("c")
        base = wid * tpw
        pltpu.sync_copy(idx_hbm.at[pl.ds(base, tpw)], idx_v)
        pltpu.sync_copy(rank_hbm.at[pl.ds(base, tpw)], rank_v)
        pltpu.sync_copy(off_hbm, off_v)
        for c in range(tpw // 16):
            sl = pl.ds(c * 16, 16)
            ofc = plsc.load_gather(off_v, [idx_v[sl]])
            pos_v[sl] = ofc + rank_v[sl]
        pltpu.sync_copy(x_hbm.at[pl.ds(base, tpw)], rows_v)
        pltpu.async_copy(rows_v, xs_hbm.at[pos_v], sem).wait()
        pltpu.sync_copy(pos_v, pos_hbm.at[pl.ds(base, tpw)])

    return dispatch(x2, idx, rank, off)


def _run_combine(ys, pos, gate):
    n, d = ys.shape
    tpw = n // NW

    @functools.partial(
        pl.kernel,
        mesh=plsc.VectorSubcoreMesh(core_axis_name="c", subcore_axis_name="s",
                                    num_cores=NC),
        out_type=jax.ShapeDtypeStruct((n, d), jnp.float32),
        scratch_types=[
            pltpu.VMEM((tpw,), jnp.int32),
            pltpu.VMEM((tpw,), jnp.float32),
            pltpu.VMEM((tpw, d), jnp.float32),
            pltpu.SemaphoreType.DMA,
        ],
        compiler_params=pltpu.CompilerParams(needs_layout_passes=False),
    )
    def combine(ys_hbm, pos_hbm, gate_hbm, out_hbm, pos_v, gate_v, rows_v, sem):
        wid = lax.axis_index("s") * NC + lax.axis_index("c")
        base = wid * tpw
        pltpu.sync_copy(pos_hbm.at[pl.ds(base, tpw)], pos_v)
        pltpu.sync_copy(gate_hbm.at[pl.ds(base, tpw)], gate_v)
        pltpu.async_copy(ys_hbm.at[pos_v], rows_v, sem).wait()

        def row_body(r, carry):
            g = plsc.load_gather(gate_v, [jnp.full((16,), r, jnp.int32)])
            for j in range(d // 16):
                sl = pl.ds(j * 16, 16)
                rows_v[r, sl] = rows_v[r, sl] * g
            return carry

        lax.fori_loop(0, tpw, row_body, 0)
        pltpu.sync_copy(rows_v, out_hbm.at[pl.ds(base, tpw)])

    return combine(ys, pos, gate)


def kernel(x, router_w, router_b, w1, b1, w2, b2):
    bb, ss, d = x.shape
    n = bb * ss
    x2 = x.reshape(n, d)

    gate, idx, rank, off, sb, se, act = _run_router(x2, router_w, router_b)
    xs, pos = _run_dispatch(x2, idx, rank, off)
    ys = _run_ffn(sb, se, act, off, xs, w1, b1, w2, b2)
    out = _run_combine(ys, pos, gate)
    return out.reshape(bb, ss, d)

# --- scband reference (transcript-rebuilt; emitter-appended) ---
"""Pipeline reference for scband-adapters-feed-forward-6966436954209 (READ-ONLY COPY).

The authoritative reference and input builder live on the scoring server;
editing this copy changes nothing except your own understanding.
"""

import jax, jax.numpy as jnp
import numpy as np

B, S, D = 2, 2048, 768
H = 1024
E = 64

def setup_inputs(seed: int = 0) -> dict:
    key = jax.random.key(seed)
    ks = jax.random.split(key, 8)
    x = jax.random.normal(ks[0], (B, S, D), dtype=jnp.float32)
    router_w = jax.random.normal(ks[1], (D, E), dtype=jnp.float32) * 0.02
    router_b = jnp.zeros((E,), dtype=jnp.float32)
    w1 = jax.random.normal(ks[2], (E, D, H), dtype=jnp.float32) * 0.02
    b1 = jnp.zeros((E, H), dtype=jnp.float32)
    w2 = jax.random.normal(ks[3], (E, H, D), dtype=jnp.float32) * 0.02
    b2 = jnp.zeros((E, D), dtype=jnp.float32)
    return {"x": x, "router_w": router_w, "router_b": router_b, "w1": w1, "b1": b1, "w2": w2, "b2": b2}

def reference(x, router_w, router_b, w1, b1, w2, b2):
    # route_type='none', embed=None -> router input is x itself
    Bs, Ss, Ds = x.shape
    tokens = x.reshape(-1, Ds)
    router_logits = tokens @ router_w + router_b
    router_probs = jax.nn.softmax(router_logits, axis=-1)
    gate_value = jnp.max(router_probs, axis=-1)
    gate_idx = jnp.argmax(router_probs, axis=-1)
    n_adapters = w1.shape[0]
    output = jnp.zeros_like(tokens)
    for i in range(n_adapters):
        mask = (gate_idx == i)
        h = jax.nn.silu(tokens @ w1[i] + b1[i])  # Adapter.w_1 + SiLU (dropout_rate=0)
        yi = h @ w2[i] + b2[i]                   # Adapter.w_2
        # is_scale_prob=True -> scale expert output by gate probability
        output = jnp.where(mask[:, None], yi * gate_value[:, None], output)
    return output.reshape(Bs, Ss, Ds)

if __name__ == "__main__":
    import jax
    _d = setup_inputs()
    print(jax.jit(kernel)(*tuple(_d.values())))

</pallas_src>

<mosaic_0001>
#map = affine_map<(d0, d1) -> (0, 0)>
#map1 = affine_map<(d0, d1) -> (0)>
module attributes {stable_mosaic.version = 14 : i64} {
  func.func @combine(%arg0: i32, %arg1: i32, %arg2: memref<4096x768xf32, #tpu.memory_space<hbm>>, %arg3: memref<4096xi32, #tpu.memory_space<hbm>>, %arg4: memref<4096xf32, #tpu.memory_space<hbm>>, %arg5: memref<4096x768xf32, #tpu.memory_space<hbm>>, %arg6: memref<128xi32, #tpu.memory_space<vmem>>, %arg7: memref<128xf32, #tpu.memory_space<vmem>>, %arg8: memref<128x768xf32, #tpu.memory_space<vmem>>, %arg9: memref<!tpu.dma_semaphore, #tpu.memory_space<semaphore_mem>>) attributes {dimension_semantics = [#tpu.dimension_semantics<core_parallel>, #tpu.dimension_semantics<subcore_parallel>], iteration_bounds = array<i64: 2, 16>, scalar_prefetch = 0 : i64, scratch_operands = 4 : i64, tpu.core_type = #tpu.core_type<sc_vector_subcore>, window_params = [{transform_indices = #map}, {transform_indices = #map1}, {transform_indices = #map1}, {transform_indices = #map}]} {
    %mul3A = arith.constant 2 : i32
    %mul3A_0 = arith.muli %arg1, %mul3A : i32
    %add3A = arith.addi %mul3A_0, %arg0 : i32
    %mul3A_1 = arith.constant 128 : i32
    %mul3A_2 = arith.muli %add3A, %mul3A_1 : i32
    "tpu.region"() ({
      %run_scoped3A = tpu.sem_alloc : memref<!tpu.dma_semaphore, #tpu.memory_space<semaphore_mem>>
      %dma_start3A_12 = tpu.memref_slice %arg3[%mul3A_2] : memref<4096xi32, #tpu.memory_space<hbm>> -> memref<128xi32, #tpu.memory_space<hbm>>
      %dma_start3A_13 = tpu.memref_slice %arg3[%mul3A_2] : memref<4096xi32, #tpu.memory_space<hbm>> -> memref<128xi32, #tpu.memory_space<hbm>>
      tpu.enqueue_dma source(%dma_start3A_13 : memref<128xi32, #tpu.memory_space<hbm>>) target(%arg6 : memref<128xi32, #tpu.memory_space<vmem>>) target_semaphore(%run_scoped3A : memref<!tpu.dma_semaphore, #tpu.memory_space<semaphore_mem>>)
      %dma_wait3A_14 = tpu.memref_slice %arg3[%mul3A_2] : memref<4096xi32, #tpu.memory_space<hbm>> -> memref<128xi32, #tpu.memory_space<hbm>>
      %dma_wait3A_15 = tpu.memref_slice %arg3[%mul3A_2] : memref<4096xi32, #tpu.memory_space<hbm>> -> memref<128xi32, #tpu.memory_space<hbm>>
      tpu.wait_dma2 semaphore(%run_scoped3A : memref<!tpu.dma_semaphore, #tpu.memory_space<semaphore_mem>>) src(%dma_wait3A_15 : memref<128xi32, #tpu.memory_space<hbm>>) dst(%arg6 : memref<128xi32, #tpu.memory_space<vmem>>)
      tpu.yield
    }) : () -> ()
    "tpu.region"() ({
      %run_scoped3A = tpu.sem_alloc : memref<!tpu.dma_semaphore, #tpu.memory_space<semaphore_mem>>
      %dma_start3A_12 = tpu.memref_slice %arg4[%mul3A_2] : memref<4096xf32, #tpu.memory_space<hbm>> -> memref<128xf32, #tpu.memory_space<hbm>>
      %dma_start3A_13 = tpu.memref_slice %arg4[%mul3A_2] : memref<4096xf32, #tpu.memory_space<hbm>> -> memref<128xf32, #tpu.memory_space<hbm>>
      tpu.enqueue_dma source(%dma_start3A_13 : memref<128xf32, #tpu.memory_space<hbm>>) target(%arg7 : memref<128xf32, #tpu.memory_space<vmem>>) target_semaphore(%run_scoped3A : memref<!tpu.dma_semaphore, #tpu.memory_space<semaphore_mem>>)
      %dma_wait3A_14 = tpu.memref_slice %arg4[%mul3A_2] : memref<4096xf32, #tpu.memory_space<hbm>> -> memref<128xf32, #tpu.memory_space<hbm>>
      %dma_wait3A_15 = tpu.memref_slice %arg4[%mul3A_2] : memref<4096xf32, #tpu.memory_space<hbm>> -> memref<128xf32, #tpu.memory_space<hbm>>
      tpu.wait_dma2 semaphore(%run_scoped3A : memref<!tpu.dma_semaphore, #tpu.memory_space<semaphore_mem>>) src(%dma_wait3A_15 : memref<128xf32, #tpu.memory_space<hbm>>) dst(%arg7 : memref<128xf32, #tpu.memory_space<vmem>>)
      tpu.yield
    }) : () -> ()
    %dma_start3A = arith.constant 0 : i32
    %dma_start3A_3 = arith.constant 0 : i32
    %dma_start3A_4 = tpu.memref_slice %arg2[%dma_start3A, %dma_start3A_3] : memref<4096x768xf32, #tpu.memory_space<hbm>> -> memref<4096x768xf32, #tpu.memory_space<hbm>>
    tpu.enqueue_indirect_dma source(%dma_start3A_4 : memref<4096x768xf32, #tpu.memory_space<hbm>>) target(%arg8 : memref<128x768xf32, #tpu.memory_space<vmem>>) offsets(%arg6 : memref<128xi32, #tpu.memory_space<vmem>>) semaphore(%arg9 : memref<!tpu.dma_semaphore, #tpu.memory_space<semaphore_mem>>)
    %dma_wait3A = arith.constant 0 : i32
    %dma_wait3A_5 = arith.constant 0 : i32
    %dma_wait3A_6 = tpu.memref_slice %arg2[%dma_wait3A, %dma_wait3A_5] : memref<4096x768xf32, #tpu.memory_space<hbm>> -> memref<4096x768xf32, #tpu.memory_space<hbm>>
    tpu.wait_indirect_dma semaphore(%arg9 : memref<!tpu.dma_semaphore, #tpu.memory_space<semaphore_mem>>) src(%dma_wait3A_6 : memref<4096x768xf32, #tpu.memory_space<hbm>>) dst(%arg8 : memref<128x768xf32, #tpu.memory_space<vmem>>)
    %scan3A = arith.constant 0 : i32
    %scan3A_7 = arith.constant 0 : i32
    %scan3A_8 = arith.constant 128 : i32
    %scan3A_9 = arith.addi %scan3A_7, %scan3A_8 : i32
    %scan3A_10 = arith.constant 1 : i32
    scf.for %scan3A_12 = %scan3A_7 to %scan3A_9 step %scan3A_10  : i32 {
      %broadcast_in_dim3A = vector.broadcast %scan3A_12 : i32 to vector<16xi32>
      %gather3A = tpu.vector_load_idx %arg7[%broadcast_in_dim3A] : memref<128xf32, #tpu.memory_space<vmem>>[vector<16xi32>], vector<16xf32>,
      %get3A = arith.index_cast %scan3A_12 : i32 to index
      %get3A_13 = arith.constant 0 : index
      %get3A_14 = tpu.vector_load %arg8[%get3A, %get3A_13] {strides = array<i32>} : memref<128x768xf32, #tpu.memory_space<vmem>>, vector<16xf32>,
      %mul3A_15 = arith.mulf %get3A_14, %gather3A : vector<16xf32>
      %swap3A = arith.index_cast %scan3A_12 : i32 to index
      %swap3A_16 = arith.constant 0 : index
      %swap3A_17 = tpu.vector_load %arg8[%swap3A, %swap3A_16] {strides = array<i32>} : memref<128x768xf32, #tpu.memory_space<vmem>>, vector<16xf32>,
      tpu.vector_store %arg8[%swap3A, %swap3A_16], %mul3A_15 {strides = array<i32>} : memref<128x768xf32, #tpu.memory_space<vmem>>, vector<16xf32>,
      %get3A_18 = arith.index_cast %scan3A_12 : i32 to index
      %get3A_19 = arith.constant 16 : index
      %get3A_20 = tpu.vector_load %arg8[%get3A_18, %get3A_19] {strides = array<i32>} : memref<128x768xf32, #tpu.memory_space<vmem>>, vector<16xf32>,
      %mul3A_21 = arith.mulf %get3A_20, %gather3A : vector<16xf32>
      %swap3A_22 = arith.index_cast %scan3A_12 : i32 to index
      %swap3A_23 = arith.constant 16 : index
      %swap3A_24 = tpu.vector_load %arg8[%swap3A_22, %swap3A_23] {strides = array<i32>} : memref<128x768xf32, #tpu.memory_space<vmem>>, vector<16xf32>,
      tpu.vector_store %arg8[%swap3A_22, %swap3A_23], %mul3A_21 {strides = array<i32>} : memref<128x768xf32, #tpu.memory_space<vmem>>, vector<16xf32>,
      %get3A_25 = arith.index_cast %scan3A_12 : i32 to index
      %get3A_26 = arith.constant 32 : index
      %get3A_27 = tpu.vector_load %arg8[%get3A_25, %get3A_26] {strides = array<i32>} : memref<128x768xf32, #tpu.memory_space<vmem>>, vector<16xf32>,
      %mul3A_28 = arith.mulf %get3A_27, %gather3A : vector<16xf32>
      %swap3A_29 = arith.index_cast %scan3A_12 : i32 to index
      %swap3A_30 = arith.constant 32 : index
      %swap3A_31 = tpu.vector_load %arg8[%swap3A_29, %swap3A_30] {strides = array<i32>} : memref<128x768xf32, #tpu.memory_space<vmem>>, vector<16xf32>,
      tpu.vector_store %arg8[%swap3A_29, %swap3A_30], %mul3A_28 {strides = array<i32>} : memref<128x768xf32, #tpu.memory_space<vmem>>, vector<16xf32>,
      %get3A_32 = arith.index_cast %scan3A_12 : i32 to index
      %get3A_33 = arith.constant 48 : index
      %get3A_34 = tpu.vector_load %arg8[%get3A_32, %get3A_33] {strides = array<i32>} : memref<128x768xf32, #tpu.memory_space<vmem>>, vector<16xf32>,
      %mul3A_35 = arith.mulf %get3A_34, %gather3A : vector<16xf32>
      %swap3A_36 = arith.index_cast %scan3A_12 : i32 to index
      %swap3A_37 = arith.constant 48 : index
      %swap3A_38 = tpu.vector_load %arg8[%swap3A_36, %swap3A_37] {strides = array<i32>} : memref<128x768xf32, #tpu.memory_space<vmem>>, vector<16xf32>,
      tpu.vector_store %arg8[%swap3A_36, %swap3A_37], %mul3A_35 {strides = array<i32>} : memref<128x768xf32, #tpu.memory_space<vmem>>, vector<16xf32>,
      %get3A_39 = arith.index_cast %scan3A_12 : i32 to index
      %get3A_40 = arith.constant 64 : index
      %get3A_41 = tpu.vector_load %arg8[%get3A_39, %get3A_40] {strides = array<i32>} : memref<128x768xf32, #tpu.memory_space<vmem>>, vector<16xf32>,
      %mul3A_42 = arith.mulf %get3A_41, %gather3A : vector<16xf32>
      %swap3A_43 = arith.index_cast %scan3A_12 : i32 to index
      %swap3A_44 = arith.constant 64 : index
      %swap3A_45 = tpu.vector_load %arg8[%swap3A_43, %swap3A_44] {strides = array<i32>} : memref<128x768xf32, #tpu.memory_space<vmem>>, vector<16xf32>,
      tpu.vector_store %arg8[%swap3A_43, %swap3A_44], %mul3A_42 {strides = array<i32>} : memref<128x768xf32, #tpu.memory_space<vmem>>, vector<16xf32>,
      %get3A_46 = arith.index_cast %scan3A_12 : i32 to index
      %get3A_47 = arith.constant 80 : index
      %get3A_48 = tpu.vector_load %arg8[%get3A_46, %get3A_47] {strides = array<i32>} : memref<128x768xf32, #tpu.memory_space<vmem>>, vector<16xf32>,
      %mul3A_49 = arith.mulf %get3A_48, %gather3A : vector<16xf32>
      %swap3A_50 = arith.index_cast %scan3A_12 : i32 to index
      %swap3A_51 = arith.constant 80 : index
      %swap3A_52 = tpu.vector_load %arg8[%swap3A_50, %swap3A_51] {strides = array<i32>} : memref<128x768xf32, #tpu.memory_space<vmem>>, vector<16xf32>,
      tpu.vector_store %arg8[%swap3A_50, %swap3A_51], %mul3A_49 {strides = array<i32>} : memref<128x768xf32, #tpu.memory_space<vmem>>, vector<16xf32>,
      %get3A_53 = arith.index_cast %scan3A_12 : i32 to index
      %get3A_54 = arith.constant 96 : index
      %get3A_55 = tpu.vector_load %arg8[%get3A_53, %get3A_54] {strides = array<i32>} : memref<128x768xf32, #tpu.memory_space<vmem>>, vector<16xf32>,
      %mul3A_56 = arith.mulf %get3A_55, %gather3A : vector<16xf32>
      %swap3A_57 = arith.index_cast %scan3A_12 : i32 to index
      %swap3A_58 = arith.constant 96 : index
      %swap3A_59 = tpu.vector_load %arg8[%swap3A_57, %swap3A_58] {strides = array<i32>} : memref<128x768xf32, #tpu.memory_space<vmem>>, vector<16xf32>,
      tpu.vector_store %arg8[%swap3A_57, %swap3A_58], %mul3A_56 {strides = array<i32>} : memref<128x768xf32, #tpu.memory_space<vmem>>, vector<16xf32>,
      %get3A_60 = arith.index_cast %scan3A_12 : i32 to index
      %get3A_61 = arith.constant 112 : index
      %get3A_62 = tpu.vector_load %arg8[%get3A_60, %get3A_61] {strides = array<i32>} : memref<128x768xf32, #tpu.memory_space<vmem>>, vector<16xf32>,
      %mul3A_63 = arith.mulf %get3A_62, %gather3A : vector<16xf32>
      %swap3A_64 = arith.index_cast %scan3A_12 : i32 to index
      %swap3A_65 = arith.constant 112 : index
      %swap3A_66 = tpu.vector_load %arg8[%swap3A_64, %swap3A_65] {strides = array<i32>} : memref<128x768xf32, #tpu.memory_space<vmem>>, vector<16xf32>,
      tpu.vector_store %arg8[%swap3A_64, %swap3A_65], %mul3A_63 {strides = array<i32>} : memref<128x768xf32, #tpu.memory_space<vmem>>, vector<16xf32>,
      %get3A_67 = arith.index_cast %scan3A_12 : i32 to index
      %get3A_68 = arith.constant 128 : index
      %get3A_69 = tpu.vector_load %arg8[%get3A_67, %get3A_68] {strides = array<i32>} : memref<128x768xf32, #tpu.memory_space<vmem>>, vector<16xf32>,
      %mul3A_70 = arith.mulf %get3A_69, %gather3A : vector<16xf32>
      %swap3A_71 = arith.index_cast %scan3A_12 : i32 to index
      %swap3A_72 = arith.constant 128 : index
      %swap3A_73 = tpu.vector_load %arg8[%swap3A_71, %swap3A_72] {strides = array<i32>} : memref<128x768xf32, #tpu.memory_space<vmem>>, vector<16xf32>,
      tpu.vector_store %arg8[%swap3A_71, %swap3A_72], %mul3A_70 {strides = array<i32>} : memref<128x768xf32, #tpu.memory_space<vmem>>, vector<16xf32>,
      %get3A_74 = arith.index_cast %scan3A_12 : i32 to index
      %get3A_75 = arith.constant 144 : index
      %get3A_76 = tpu.vector_load %arg8[%get3A_74, %get3A_75] {strides = array<i32>} : memref<128x768xf32, #tpu.memory_space<vmem>>, vector<16xf32>,
      %mul3A_77 = arith.mulf %get3A_76, %gather3A : vector<16xf32>
      %swap3A_78 = arith.index_cast %scan3A_12 : i32 to index
      %swap3A_79 = arith.constant 144 : index
      %swap3A_80 = tpu.vector_load %arg8[%swap3A_78, %swap3A_79] {strides = array<i32>} : memref<128x768xf32, #tpu.memory_space<vmem>>, vector<16xf32>,
      tpu.vector_store %arg8[%swap3A_78, %swap3A_79], %mul3A_77 {strides = array<i32>} : memref<128x768xf32, #tpu.memory_space<vmem>>, vector<16xf32>,
      %get3A_81 = arith.index_cast %scan3A_12 : i32 to index
      %get3A_82 = arith.constant 160 : index
      %get3A_83 = tpu.vector_load %arg8[%get3A_81, %get3A_82] {strides = array<i32>} : memref<128x768xf32, #tpu.memory_space<vmem>>, vector<16xf32>,
      %mul3A_84 = arith.mulf %get3A_83, %gather3A : vector<16xf32>
      %swap3A_85 = arith.index_cast %scan3A_12 : i32 to index
      %swap3A_86 = arith.constant 160 : index
      %swap3A_87 = tpu.vector_load %arg8[%swap3A_85, %swap3A_86] {strides = array<i32>} : memref<128x768xf32, #tpu.memory_space<vmem>>, vector<16xf32>,
      tpu.vector_store %arg8[%swap3A_85, %swap3A_86], %mul3A_84 {strides = array<i32>} : memref<128x768xf32, #tpu.memory_space<vmem>>, vector<16xf32>,
      %get3A_88 = arith.index_cast %scan3A_12 : i32 to index
      %get3A_89 = arith.constant 176 : index
      %get3A_90 = tpu.vector_load %arg8[%get3A_88, %get3A_89] {strides = array<i32>} : memref<128x768xf32, #tpu.memory_space<vmem>>, vector<16xf32>,
      %mul3A_91 = arith.mulf %get3A_90, %gather3A : vector<16xf32>
      %swap3A_92 = arith.index_cast %scan3A_12 : i32 to index
      %swap3A_93 = arith.constant 176 : index
      %swap3A_94 = tpu.vector_load %arg8[%swap3A_92, %swap3A_93] {strides = array<i32>} : memref<128x768xf32, #tpu.memory_space<vmem>>, vector<16xf32>,
      tpu.vector_store %arg8[%swap3A_92, %swap3A_93], %mul3A_91 {strides = array<i32>} : memref<128x768xf32, #tpu.memory_space<vmem>>, vector<16xf32>,
      %get3A_95 = arith.index_cast %scan3A_12 : i32 to index
      %get3A_96 = arith.constant 192 : index
      %get3A_97 = tpu.vector_load %arg8[%get3A_95, %get3A_96] {strides = array<i32>} : memref<128x768xf32, #tpu.memory_space<vmem>>, vector<16xf32>,
      %mul3A_98 = arith.mulf %get3A_97, %gather3A : vector<16xf32>
      %swap3A_99 = arith.index_cast %scan3A_12 : i32 to index
      %swap3A_100 = arith.constant 192 : index
      %swap3A_101 = tpu.vector_load %arg8[%swap3A_99, %swap3A_100] {strides = array<i32>} : memref<128x768xf32, #tpu.memory_space<vmem>>, vector<16xf32>,
      tpu.vector_store %arg8[%swap3A_99, %swap3A_100], %mul3A_98 {strides = array<i32>} : memref<128x768xf32, #tpu.memory_space<vmem>>, vector<16xf32>,
      %get3A_102 = arith.index_cast %scan3A_12 : i32 to index
      %get3A_103 = arith.constant 208 : index
      %get3A_104 = tpu.vector_load %arg8[%get3A_102, %get3A_103] {strides = array<i32>} : memref<128x768xf32, #tpu.memory_space<vmem>>, vector<16xf32>,
      %mul3A_105 = arith.mulf %get3A_104, %gather3A : vector<16xf32>
      %swap3A_106 = arith.index_cast %scan3A_12 : i32 to index
      %swap3A_107 = arith.constant 208 : index
      %swap3A_108 = tpu.vector_load %arg8[%swap3A_106, %swap3A_107] {strides = array<i32>} : memref<128x768xf32, #tpu.memory_space<vmem>>, vector<16xf32>,
      tpu.vector_store %arg8[%swap3A_106, %swap3A_107], %mul3A_105 {strides = array<i32>} : memref<128x768xf32, #tpu.memory_space<vmem>>, vector<16xf32>,
      %get3A_109 = arith.index_cast %scan3A_12 : i32 to index
      %get3A_110 = arith.constant 224 : index
      %get3A_111 = tpu.vector_load %arg8[%get3A_109, %get3A_110] {strides = array<i32>} : memref<128x768xf32, #tpu.memory_space<vmem>>, vector<16xf32>,
      %mul3A_112 = arith.mulf %get3A_111, %gather3A : vector<16xf32>
      %swap3A_113 = arith.index_cast %scan3A_12 : i32 to index
      %swap3A_114 = arith.constant 224 : index
      %swap3A_115 = tpu.vector_load %arg8[%swap3A_113, %swap3A_114] {strides = array<i32>} : memref<128x768xf32, #tpu.memory_space<vmem>>, vector<16xf32>,
      tpu.vector_store %arg8[%swap3A_113, %swap3A_114], %mul3A_112 {strides = array<i32>} : memref<128x768xf32, #tpu.memory_space<vmem>>, vector<16xf32>,
      %get3A_116 = arith.index_cast %scan3A_12 : i32 to index
      %get3A_117 = arith.constant 240 : index
      %get3A_118 = tpu.vector_load %arg8[%get3A_116, %get3A_117] {strides = array<i32>} : memref<128x768xf32, #tpu.memory_space<vmem>>, vector<16xf32>,
      %mul3A_119 = arith.mulf %get3A_118, %gather3A : vector<16xf32>
      %swap3A_120 = arith.index_cast %scan3A_12 : i32 to index
      %swap3A_121 = arith.constant 240 : index
      %swap3A_122 = tpu.vector_load %arg8[%swap3A_120, %swap3A_121] {strides = array<i32>} : memref<128x768xf32, #tpu.memory_space<vmem>>, vector<16xf32>,
      tpu.vector_store %arg8[%swap3A_120, %swap3A_121], %mul3A_119 {strides = array<i32>} : memref<128x768xf32, #tpu.memory_space<vmem>>, vector<16xf32>,
      %get3A_123 = arith.index_cast %scan3A_12 : i32 to index
      %get3A_124 = arith.constant 256 : index
      %get3A_125 = tpu.vector_load %arg8[%get3A_123, %get3A_124] {strides = array<i32>} : memref<128x768xf32, #tpu.memory_space<vmem>>, vector<16xf32>,
      %mul3A_126 = arith.mulf %get3A_125, %gather3A : vector<16xf32>
      %swap3A_127 = arith.index_cast %scan3A_12 : i32 to index
      %swap3A_128 = arith.constant 256 : index
      %swap3A_129 = tpu.vector_load %arg8[%swap3A_127, %swap3A_128] {strides = array<i32>} : memref<128x768xf32, #tpu.memory_space<vmem>>, vector<16xf32>,
      tpu.vector_store %arg8[%swap3A_127, %swap3A_128], %mul3A_126 {strides = array<i32>} : memref<128x768xf32, #tpu.memory_space<vmem>>, vector<16xf32>,
      %get3A_130 = arith.index_cast %scan3A_12 : i32 to index
      %get3A_131 = arith.constant 272 : index
      %get3A_132 = tpu.vector_load %arg8[%get3A_130, %get3A_131] {strides = array<i32>} : memref<128x768xf32, #tpu.memory_space<vmem>>, vector<16xf32>,
      %mul3A_133 = arith.mulf %get3A_132, %gather3A : vector<16xf32>
      %swap3A_134 = arith.index_cast %scan3A_12 : i32 to index
      %swap3A_135 = arith.constant 272 : index
      %swap3A_136 = tpu.vector_load %arg8[%swap3A_134, %swap3A_135] {strides = array<i32>} : memref<128x768xf32, #tpu.memory_space<vmem>>, vector<16xf32>,
      tpu.vector_store %arg8[%swap3A_134, %swap3A_135], %mul3A_133 {strides = array<i32>} : memref<128x768xf32, #tpu.memory_space<vmem>>, vector<16xf32>,
      %get3A_137 = arith.index_cast %scan3A_12 : i32 to index
      %get3A_138 = arith.constant 288 : index
      %get3A_139 = tpu.vector_load %arg8[%get3A_137, %get3A_138] {strides = array<i32>} : memref<128x768xf32, #tpu.memory_space<vmem>>, vector<16xf32>,
      %mul3A_140 = arith.mulf %get3A_139, %gather3A : vector<16xf32>
      %swap3A_141 = arith.index_cast %scan3A_12 : i32 to index
      %swap3A_142 = arith.constant 288 : index
      %swap3A_143 = tpu.vector_load %arg8[%swap3A_141, %swap3A_142] {strides = array<i32>} : memref<128x768xf32, #tpu.memory_space<vmem>>, vector<16xf32>,
      tpu.vector_store %arg8[%swap3A_141, %swap3A_142], %mul3A_140 {strides = array<i32>} : memref<128x768xf32, #tpu.memory_space<vmem>>, vector<16xf32>,
      %get3A_144 = arith.index_cast %scan3A_12 : i32 to index
      %get3A_145 = arith.constant 304 : index
      %get3A_146 = tpu.vector_load %arg8[%get3A_144, %get3A_145] {strides = array<i32>} : memref<128x768xf32, #tpu.memory_space<vmem>>, vector<16xf32>,
      %mul3A_147 = arith.mulf %get3A_146, %gather3A : vector<16xf32>
      %swap3A_148 = arith.index_cast %scan3A_12 : i32 to index
      %swap3A_149 = arith.constant 304 : index
      %swap3A_150 = tpu.vector_load %arg8[%swap3A_148, %swap3A_149] {strides = array<i32>} : memref<128x768xf32, #tpu.memory_space<vmem>>, vector<16xf32>,
      tpu.vector_store %arg8[%swap3A_148, %swap3A_149], %mul3A_147 {strides = array<i32>} : memref<128x768xf32, #tpu.memory_space<vmem>>, vector<16xf32>,
      %get3A_151 = arith.index_cast %scan3A_12 : i32 to index
      %get3A_152 = arith.constant 320 : index
      %get3A_153 = tpu.vector_load %arg8[%get3A_151, %get3A_152] {strides = array<i32>} : memref<128x768xf32, #tpu.memory_space<vmem>>, vector<16xf32>,
      %mul3A_154 = arith.mulf %get3A_153, %gather3A : vector<16xf32>
      %swap3A_155 = arith.index_cast %scan3A_12 : i32 to index
      %swap3A_156 = arith.constant 320 : index
      %swap3A_157 = tpu.vector_load %arg8[%swap3A_155, %swap3A_156] {strides = array<i32>} : memref<128x768xf32, #tpu.memory_space<vmem>>, vector<16xf32>,
      tpu.vector_store %arg8[%swap3A_155, %swap3A_156], %mul3A_154 {strides = array<i32>} : memref<128x768xf32, #tpu.memory_space<vmem>>, vector<16xf32>,
      %get3A_158 = arith.index_cast %scan3A_12 : i32 to index
      %get3A_159 = arith.constant 336 : index
      %get3A_160 = tpu.vector_load %arg8[%get3A_158, %get3A_159] {strides = array<i32>} : memref<128x768xf32, #tpu.memory_space<vmem>>, vector<16xf32>,
      %mul3A_161 = arith.mulf %get3A_160, %gather3A : vector<16xf32>
      %swap3A_162 = arith.index_cast %scan3A_12 : i32 to index
      %swap3A_163 = arith.constant 336 : index
      %swap3A_164 = tpu.vector_load %arg8[%swap3A_162, %swap3A_163] {strides = array<i32>} : memref<128x768xf32, #tpu.memory_space<vmem>>, vector<16xf32>,
      tpu.vector_store %arg8[%swap3A_162, %swap3A_163], %mul3A_161 {strides = array<i32>} : memref<128x768xf32, #tpu.memory_space<vmem>>, vector<16xf32>,
      %get3A_165 = arith.index_cast %scan3A_12 : i32 to index
      %get3A_166 = arith.constant 352 : index
      %get3A_167 = tpu.vector_load %arg8[%get3A_165, %get3A_166] {strides = array<i32>} : memref<128x768xf32, #tpu.memory_space<vmem>>, vector<16xf32>,
      %mul3A_168 = arith.mulf %get3A_167, %gather3A : vector<16xf32>
      %swap3A_169 = arith.index_cast %scan3A_12 : i32 to index
      %swap3A_170 = arith.constant 352 : index
      %swap3A_171 = tpu.vector_load %arg8[%swap3A_169, %swap3A_170] {strides = array<i32>} : memref<128x768xf32, #tpu.memory_space<vmem>>, vector<16xf32>,
      tpu.vector_store %arg8[%swap3A_169, %swap3A_170], %mul3A_168 {strides = array<i32>} : memref<128x768xf32, #tpu.memory_space<vmem>>, vector<16xf32>,
      %get3A_172 = arith.index_cast %scan3A_12 : i32 to index
      %get3A_173 = arith.constant 368 : index
      %get3A_174 = tpu.vector_load %arg8[%get3A_172, %get3A_173] {strides = array<i32>} : memref<128x768xf32, #tpu.memory_space<vmem>>, vector<16xf32>,
      %mul3A_175 = arith.mulf %get3A_174, %gather3A : vector<16xf32>
      %swap3A_176 = arith.index_cast %scan3A_12 : i32 to index
      %swap3A_177 = arith.constant 368 : index
      %swap3A_178 = tpu.vector_load %arg8[%swap3A_176, %swap3A_177] {strides = array<i32>} : memref<128x768xf32, #tpu.memory_space<vmem>>, vector<16xf32>,
      tpu.vector_store %arg8[%swap3A_176, %swap3A_177], %mul3A_175 {strides = array<i32>} : memref<128x768xf32, #tpu.memory_space<vmem>>, vector<16xf32>,
      %get3A_179 = arith.index_cast %scan3A_12 : i32 to index
      %get3A_180 = arith.constant 384 : index
      %get3A_181 = tpu.vector_load %arg8[%get3A_179, %get3A_180] {strides = array<i32>} : memref<128x768xf32, #tpu.memory_space<vmem>>, vector<16xf32>,
      %mul3A_182 = arith.mulf %get3A_181, %gather3A : vector<16xf32>
      %swap3A_183 = arith.index_cast %scan3A_12 : i32 to index
      %swap3A_184 = arith.constant 384 : index
      %swap3A_185 = tpu.vector_load %arg8[%swap3A_183, %swap3A_184] {strides = array<i32>} : memref<128x768xf32, #tpu.memory_space<vmem>>, vector<16xf32>,
      tpu.vector_store %arg8[%swap3A_183, %swap3A_184], %mul3A_182 {strides = array<i32>} : memref<128x768xf32, #tpu.memory_space<vmem>>, vector<16xf32>,
      %get3A_186 = arith.index_cast %scan3A_12 : i32 to index
      %get3A_187 = arith.constant 400 : index
      %get3A_188 = tpu.vector_load %arg8[%get3A_186, %get3A_187] {strides = array<i32>} : memref<128x768xf32, #tpu.memory_space<vmem>>, vector<16xf32>,
      %mul3A_189 = arith.mulf %get3A_188, %gather3A : vector<16xf32>
      %swap3A_190 = arith.index_cast %scan3A_12 : i32 to index
      %swap3A_191 = arith.constant 400 : index
      %swap3A_192 = tpu.vector_load %arg8[%swap3A_190, %swap3A_191] {strides = array<i32>} : memref<128x768xf32, #tpu.memory_space<vmem>>, vector<16xf32>,
      tpu.vector_store %arg8[%swap3A_190, %swap3A_191], %mul3A_189 {strides = array<i32>} : memref<128x768xf32, #tpu.memory_space<vmem>>, vector<16xf32>,
      %get3A_193 = arith.index_cast %scan3A_12 : i32 to index
      %get3A_194 = arith.constant 416 : index
      %get3A_195 = tpu.vector_load %arg8[%get3A_193, %get3A_194] {strides = array<i32>} : memref<128x768xf32, #tpu.memory_space<vmem>>, vector<16xf32>,
      %mul3A_196 = arith.mulf %get3A_195, %gather3A : vector<16xf32>
      %swap3A_197 = arith.index_cast %scan3A_12 : i32 to index
      %swap3A_198 = arith.constant 416 : index
      %swap3A_199 = tpu.vector_load %arg8[%swap3A_197, %swap3A_198] {strides = array<i32>} : memref<128x768xf32, #tpu.memory_space<vmem>>, vector<16xf32>,
      tpu.vector_store %arg8[%swap3A_197, %swap3A_198], %mul3A_196 {strides = array<i32>} : memref<128x768xf32, #tpu.memory_space<vmem>>, vector<16xf32>,
      %get3A_200 = arith.index_cast %scan3A_12 : i32 to index
      %get3A_201 = arith.constant 432 : index
      %get3A_202 = tpu.vector_load %arg8[%get3A_200, %get3A_201] {strides = array<i32>} : memref<128x768xf32, #tpu.memory_space<vmem>>, vector<16xf32>,
      %mul3A_203 = arith.mulf %get3A_202, %gather3A : vector<16xf32>
      %swap3A_204 = arith.index_cast %scan3A_12 : i32 to index
      %swap3A_205 = arith.constant 432 : index
      %swap3A_206 = tpu.vector_load %arg8[%swap3A_204, %swap3A_205] {strides = array<i32>} : memref<128x768xf32, #tpu.memory_space<vmem>>, vector<16xf32>,
      tpu.vector_store %arg8[%swap3A_204, %swap3A_205], %mul3A_203 {strides = array<i32>} : memref<128x768xf32, #tpu.memory_space<vmem>>, vector<16xf32>,
      %get3A_207 = arith.index_cast %scan3A_12 : i32 to index
      %get3A_208 = arith.constant 448 : index
      %get3A_209 = tpu.vector_load %arg8[%get3A_207, %get3A_208] {strides = array<i32>} : memref<128x768xf32, #tpu.memory_space<vmem>>, vector<16xf32>,
      %mul3A_210 = arith.mulf %get3A_209, %gather3A : vector<16xf32>
      %swap3A_211 = arith.index_cast %scan3A_12 : i32 to index
      %swap3A_212 = arith.constant 448 : index
      %swap3A_213 = tpu.vector_load %arg8[%swap3A_211, %swap3A_212] {strides = array<i32>} : memref<128x768xf32, #tpu.memory_space<vmem>>, vector<16xf32>,
      tpu.vector_store %arg8[%swap3A_211, %swap3A_212], %mul3A_210 {strides = array<i32>} : memref<128x768xf32, #tpu.memory_space<vmem>>, vector<16xf32>,
      %get3A_214 = arith.index_cast %scan3A_12 : i32 to index
      %get3A_215 = arith.constant 464 : index
      %get3A_216 = tpu.vector_load %arg8[%get3A_214, %get3A_215] {strides = array<i32>} : memref<128x768xf32, #tpu.memory_space<vmem>>, vector<16xf32>,
      %mul3A_217 = arith.mulf %get3A_216, %gather3A : vector<16xf32>
      %swap3A_218 = arith.index_cast %scan3A_12 : i32 to index
      %swap3A_219 = arith.constant 464 : index
      %swap3A_220 = tpu.vector_load %arg8[%swap3A_218, %swap3A_219] {strides = array<i32>} : memref<128x768xf32, #tpu.memory_space<vmem>>, vector<16xf32>,
      tpu.vector_store %arg8[%swap3A_218, %swap3A_219], %mul3A_217 {strides = array<i32>} : memref<128x768xf32, #tpu.memory_space<vmem>>, vector<16xf32>,
      %get3A_221 = arith.index_cast %scan3A_12 : i32 to index
      %get3A_222 = arith.constant 480 : index
      %get3A_223 = tpu.vector_load %arg8[%get3A_221, %get3A_222] {strides = array<i32>} : memref<128x768xf32, #tpu.memory_space<vmem>>, vector<16xf32>,
      %mul3A_224 = arith.mulf %get3A_223, %gather3A : vector<16xf32>
      %swap3A_225 = arith.index_cast %scan3A_12 : i32 to index
      %swap3A_226 = arith.constant 480 : index
      %swap3A_227 = tpu.vector_load %arg8[%swap3A_225, %swap3A_226] {strides = array<i32>} : memref<128x768xf32, #tpu.memory_space<vmem>>, vector<16xf32>,
      tpu.vector_store %arg8[%swap3A_225, %swap3A_226], %mul3A_224 {strides = array<i32>} : memref<128x768xf32, #tpu.memory_space<vmem>>, vector<16xf32>,
      %get3A_228 = arith.index_cast %scan3A_12 : i32 to index
      %get3A_229 = arith.constant 496 : index
      %get3A_230 = tpu.vector_load %arg8[%get3A_228, %get3A_229] {strides = array<i32>} : memref<128x768xf32, #tpu.memory_space<vmem>>, vector<16xf32>,
      %mul3A_231 = arith.mulf %get3A_230, %gather3A : vector<16xf32>
      %swap3A_232 = arith.index_cast %scan3A_12 : i32 to index
      %swap3A_233 = arith.constant 496 : index
      %swap3A_234 = tpu.vector_load %arg8[%swap3A_232, %swap3A_233] {strides = array<i32>} : memref<128x768xf32, #tpu.memory_space<vmem>>, vector<16xf32>,
      tpu.vector_store %arg8[%swap3A_232, %swap3A_233], %mul3A_231 {strides = array<i32>} : memref<128x768xf32, #tpu.memory_space<vmem>>, vector<16xf32>,
      %get3A_235 = arith.index_cast %scan3A_12 : i32 to index
      %get3A_236 = arith.constant 512 : index
      %get3A_237 = tpu.vector_load %arg8[%get3A_235, %get3A_236] {strides = array<i32>} : memref<128x768xf32, #tpu.memory_space<vmem>>, vector<16xf32>,
      %mul3A_238 = arith.mulf %get3A_237, %gather3A : vector<16xf32>
      %swap3A_239 = arith.index_cast %scan3A_12 : i32 to index
      %swap3A_240 = arith.constant 512 : index
      %swap3A_241 = tpu.vector_load %arg8[%swap3A_239, %swap3A_240] {strides = array<i32>} : memref<128x768xf32, #tpu.memory_space<vmem>>, vector<16xf32>,
      tpu.vector_store %arg8[%swap3A_239, %swap3A_240], %mul3A_238 {strides = array<i32>} : memref<128x768xf32, #tpu.memory_space<vmem>>, vector<16xf32>,
      %get3A_242 = arith.index_cast %scan3A_12 : i32 to index
      %get3A_243 = arith.constant 528 : index
      %get3A_244 = tpu.vector_load %arg8[%get3A_242, %get3A_243] {strides = array<i32>} : memref<128x768xf32, #tpu.memory_space<vmem>>, vector<16xf32>,
      %mul3A_245 = arith.mulf %get3A_244, %gather3A : vector<16xf32>
      %swap3A_246 = arith.index_cast %scan3A_12 : i32 to index
      %swap3A_247 = arith.constant 528 : index
      %swap3A_248 = tpu.vector_load %arg8[%swap3A_246, %swap3A_247] {strides = array<i32>} : memref<128x768xf32, #tpu.memory_space<vmem>>, vector<16xf32>,
      tpu.vector_store %arg8[%swap3A_246, %swap3A_247], %mul3A_245 {strides = array<i32>} : memref<128x768xf32, #tpu.memory_space<vmem>>, vector<16xf32>,
      %get3A_249 = arith.index_cast %scan3A_12 : i32 to index
      %get3A_250 = arith.constant 544 : index
      %get3A_251 = tpu.vector_load %arg8[%get3A_249, %get3A_250] {strides = array<i32>} : memref<128x768xf32, #tpu.memory_space<vmem>>, vector<16xf32>,
      %mul3A_252 = arith.mulf %get3A_251, %gather3A : vector<16xf32>
      %swap3A_253 = arith.index_cast %scan3A_12 : i32 to index
      %swap3A_254 = arith.constant 544 : index
      %swap3A_255 = tpu.vector_load %arg8[%swap3A_253, %swap3A_254] {strides = array<i32>} : memref<128x768xf32, #tpu.memory_space<vmem>>, vector<16xf32>,
      tpu.vector_store %arg8[%swap3A_253, %swap3A_254], %mul3A_252 {strides = array<i32>} : memref<128x768xf32, #tpu.memory_space<vmem>>, vector<16xf32>,
      %get3A_256 = arith.index_cast %scan3A_12 : i32 to index
      %get3A_257 = arith.constant 560 : index
      %get3A_258 = tpu.vector_load %arg8[%get3A_256, %get3A_257] {strides = array<i32>} : memref<128x768xf32, #tpu.memory_space<vmem>>, vector<16xf32>,
      %mul3A_259 = arith.mulf %get3A_258, %gather3A : vector<16xf32>
      %swap3A_260 = arith.index_cast %scan3A_12 : i32 to index
      %swap3A_261 = arith.constant 560 : index
      %swap3A_262 = tpu.vector_load %arg8[%swap3A_260, %swap3A_261] {strides = array<i32>} : memref<128x768xf32, #tpu.memory_space<vmem>>, vector<16xf32>,
      tpu.vector_store %arg8[%swap3A_260, %swap3A_261], %mul3A_259 {strides = array<i32>} : memref<128x768xf32, #tpu.memory_space<vmem>>, vector<16xf32>,
      %get3A_263 = arith.index_cast %scan3A_12 : i32 to index
      %get3A_264 = arith.constant 576 : index
      %get3A_265 = tpu.vector_load %arg8[%get3A_263, %get3A_264] {strides = array<i32>} : memref<128x768xf32, #tpu.memory_space<vmem>>, vector<16xf32>,
      %mul3A_266 = arith.mulf %get3A_265, %gather3A : vector<16xf32>
      %swap3A_267 = arith.index_cast %scan3A_12 : i32 to index
      %swap3A_268 = arith.constant 576 : index
      %swap3A_269 = tpu.vector_load %arg8[%swap3A_267, %swap3A_268] {strides = array<i32>} : memref<128x768xf32, #tpu.memory_space<vmem>>, vector<16xf32>,
      tpu.vector_store %arg8[%swap3A_267, %swap3A_268], %mul3A_266 {strides = array<i32>} : memref<128x768xf32, #tpu.memory_space<vmem>>, vector<16xf32>,
      %get3A_270 = arith.index_cast %scan3A_12 : i32 to index
      %get3A_271 = arith.constant 592 : index
      %get3A_272 = tpu.vector_load %arg8[%get3A_270, %get3A_271] {strides = array<i32>} : memref<128x768xf32, #tpu.memory_space<vmem>>, vector<16xf32>,
      %mul3A_273 = arith.mulf %get3A_272, %gather3A : vector<16xf32>
      %swap3A_274 = arith.index_cast %scan3A_12 : i32 to index
      %swap3A_275 = arith.constant 592 : index
      %swap3A_276 = tpu.vector_load %arg8[%swap3A_274, %swap3A_275] {strides = array<i32>} : memref<128x768xf32, #tpu.memory_space<vmem>>, vector<16xf32>,
      tpu.vector_store %arg8[%swap3A_274, %swap3A_275], %mul3A_273 {strides = array<i32>} : memref<128x768xf32, #tpu.memory_space<vmem>>, vector<16xf32>,
      %get3A_277 = arith.index_cast %scan3A_12 : i32 to index
      %get3A_278 = arith.constant 608 : index
      %get3A_279 = tpu.vector_load %arg8[%get3A_277, %get3A_278] {strides = array<i32>} : memref<128x768xf32, #tpu.memory_space<vmem>>, vector<16xf32>,
      %mul3A_280 = arith.mulf %get3A_279, %gather3A : vector<16xf32>
      %swap3A_281 = arith.index_cast %scan3A_12 : i32 to index
      %swap3A_282 = arith.constant 608 : index
      %swap3A_283 = tpu.vector_load %arg8[%swap3A_281, %swap3A_282] {strides = array<i32>} : memref<128x768xf32, #tpu.memory_space<vmem>>, vector<16xf32>,
      tpu.vector_store %arg8[%swap3A_281, %swap3A_282], %mul3A_280 {strides = array<i32>} : memref<128x768xf32, #tpu.memory_space<vmem>>, vector<16xf32>,
      %get3A_284 = arith.index_cast %scan3A_12 : i32 to index
      %get3A_285 = arith.constant 624 : index
      %get3A_286 = tpu.vector_load %arg8[%get3A_284, %get3A_285] {strides = array<i32>} : memref<128x768xf32, #tpu.memory_space<vmem>>, vector<16xf32>,
      %mul3A_287 = arith.mulf %get3A_286, %gather3A : vector<16xf32>
      %swap3A_288 = arith.index_cast %scan3A_12 : i32 to index
      %swap3A_289 = arith.constant 624 : index
      %swap3A_290 = tpu.vector_load %arg8[%swap3A_288, %swap3A_289] {strides = array<i32>} : memref<128x768xf32, #tpu.memory_space<vmem>>, vector<16xf32>,
      tpu.vector_store %arg8[%swap3A_288, %swap3A_289], %mul3A_287 {strides = array<i32>} : memref<128x768xf32, #tpu.memory_space<vmem>>, vector<16xf32>,
      %get3A_291 = arith.index_cast %scan3A_12 : i32 to index
      %get3A_292 = arith.constant 640 : index
      %get3A_293 = tpu.vector_load %arg8[%get3A_291, %get3A_292] {strides = array<i32>} : memref<128x768xf32, #tpu.memory_space<vmem>>, vector<16xf32>,
      %mul3A_294 = arith.mulf %get3A_293, %gather3A : vector<16xf32>
      %swap3A_295 = arith.index_cast %scan3A_12 : i32 to index
      %swap3A_296 = arith.constant 640 : index
      %swap3A_297 = tpu.vector_load %arg8[%swap3A_295, %swap3A_296] {strides = array<i32>} : memref<128x768xf32, #tpu.memory_space<vmem>>, vector<16xf32>,
      tpu.vector_store %arg8[%swap3A_295, %swap3A_296], %mul3A_294 {strides = array<i32>} : memref<128x768xf32, #tpu.memory_space<vmem>>, vector<16xf32>,
      %get3A_298 = arith.index_cast %scan3A_12 : i32 to index
      %get3A_299 = arith.constant 656 : index
      %get3A_300 = tpu.vector_load %arg8[%get3A_298, %get3A_299] {strides = array<i32>} : memref<128x768xf32, #tpu.memory_space<vmem>>, vector<16xf32>,
      %mul3A_301 = arith.mulf %get3A_300, %gather3A : vector<16xf32>
      %swap3A_302 = arith.index_cast %scan3A_12 : i32 to index
      %swap3A_303 = arith.constant 656 : index
      %swap3A_304 = tpu.vector_load %arg8[%swap3A_302, %swap3A_303] {strides = array<i32>} : memref<128x768xf32, #tpu.memory_space<vmem>>, vector<16xf32>,
      tpu.vector_store %arg8[%swap3A_302, %swap3A_303], %mul3A_301 {strides = array<i32>} : memref<128x768xf32, #tpu.memory_space<vmem>>, vector<16xf32>,
      %get3A_305 = arith.index_cast %scan3A_12 : i32 to index
      %get3A_306 = arith.constant 672 : index
      %get3A_307 = tpu.vector_load %arg8[%get3A_305, %get3A_306] {strides = array<i32>} : memref<128x768xf32, #tpu.memory_space<vmem>>, vector<16xf32>,
      %mul3A_308 = arith.mulf %get3A_307, %gather3A : vector<16xf32>
      %swap3A_309 = arith.index_cast %scan3A_12 : i32 to index
      %swap3A_310 = arith.constant 672 : index
      %swap3A_311 = tpu.vector_load %arg8[%swap3A_309, %swap3A_310] {strides = array<i32>} : memref<128x768xf32, #tpu.memory_space<vmem>>, vector<16xf32>,
      tpu.vector_store %arg8[%swap3A_309, %swap3A_310], %mul3A_308 {strides = array<i32>} : memref<128x768xf32, #tpu.memory_space<vmem>>, vector<16xf32>,
      %get3A_312 = arith.index_cast %scan3A_12 : i32 to index
      %get3A_313 = arith.constant 688 : index
      %get3A_314 = tpu.vector_load %arg8[%get3A_312, %get3A_313] {strides = array<i32>} : memref<128x768xf32, #tpu.memory_space<vmem>>, vector<16xf32>,
      %mul3A_315 = arith.mulf %get3A_314, %gather3A : vector<16xf32>
      %swap3A_316 = arith.index_cast %scan3A_12 : i32 to index
      %swap3A_317 = arith.constant 688 : index
      %swap3A_318 = tpu.vector_load %arg8[%swap3A_316, %swap3A_317] {strides = array<i32>} : memref<128x768xf32, #tpu.memory_space<vmem>>, vector<16xf32>,
      tpu.vector_store %arg8[%swap3A_316, %swap3A_317], %mul3A_315 {strides = array<i32>} : memref<128x768xf32, #tpu.memory_space<vmem>>, vector<16xf32>,
      %get3A_319 = arith.index_cast %scan3A_12 : i32 to index
      %get3A_320 = arith.constant 704 : index
      %get3A_321 = tpu.vector_load %arg8[%get3A_319, %get3A_320] {strides = array<i32>} : memref<128x768xf32, #tpu.memory_space<vmem>>, vector<16xf32>,
      %mul3A_322 = arith.mulf %get3A_321, %gather3A : vector<16xf32>
      %swap3A_323 = arith.index_cast %scan3A_12 : i32 to index
      %swap3A_324 = arith.constant 704 : index
      %swap3A_325 = tpu.vector_load %arg8[%swap3A_323, %swap3A_324] {strides = array<i32>} : memref<128x768xf32, #tpu.memory_space<vmem>>, vector<16xf32>,
      tpu.vector_store %arg8[%swap3A_323, %swap3A_324], %mul3A_322 {strides = array<i32>} : memref<128x768xf32, #tpu.memory_space<vmem>>, vector<16xf32>,
      %get3A_326 = arith.index_cast %scan3A_12 : i32 to index
      %get3A_327 = arith.constant 720 : index
      %get3A_328 = tpu.vector_load %arg8[%get3A_326, %get3A_327] {strides = array<i32>} : memref<128x768xf32, #tpu.memory_space<vmem>>, vector<16xf32>,
      %mul3A_329 = arith.mulf %get3A_328, %gather3A : vector<16xf32>
      %swap3A_330 = arith.index_cast %scan3A_12 : i32 to index
      %swap3A_331 = arith.constant 720 : index
      %swap3A_332 = tpu.vector_load %arg8[%swap3A_330, %swap3A_331] {strides = array<i32>} : memref<128x768xf32, #tpu.memory_space<vmem>>, vector<16xf32>,
      tpu.vector_store %arg8[%swap3A_330, %swap3A_331], %mul3A_329 {strides = array<i32>} : memref<128x768xf32, #tpu.memory_space<vmem>>, vector<16xf32>,
      %get3A_333 = arith.index_cast %scan3A_12 : i32 to index
      %get3A_334 = arith.constant 736 : index
      %get3A_335 = tpu.vector_load %arg8[%get3A_333, %get3A_334] {strides = array<i32>} : memref<128x768xf32, #tpu.memory_space<vmem>>, vector<16xf32>,
      %mul3A_336 = arith.mulf %get3A_335, %gather3A : vector<16xf32>
      %swap3A_337 = arith.index_cast %scan3A_12 : i32 to index
      %swap3A_338 = arith.constant 736 : index
      %swap3A_339 = tpu.vector_load %arg8[%swap3A_337, %swap3A_338] {strides = array<i32>} : memref<128x768xf32, #tpu.memory_space<vmem>>, vector<16xf32>,
      tpu.vector_store %arg8[%swap3A_337, %swap3A_338], %mul3A_336 {strides = array<i32>} : memref<128x768xf32, #tpu.memory_space<vmem>>, vector<16xf32>,
      %get3A_340 = arith.index_cast %scan3A_12 : i32 to index
      %get3A_341 = arith.constant 752 : index
      %get3A_342 = tpu.vector_load %arg8[%get3A_340, %get3A_341] {strides = array<i32>} : memref<128x768xf32, #tpu.memory_space<vmem>>, vector<16xf32>,
      %mul3A_343 = arith.mulf %get3A_342, %gather3A : vector<16xf32>
      %swap3A_344 = arith.index_cast %scan3A_12 : i32 to index
      %swap3A_345 = arith.constant 752 : index
      %swap3A_346 = tpu.vector_load %arg8[%swap3A_344, %swap3A_345] {strides = array<i32>} : memref<128x768xf32, #tpu.memory_space<vmem>>, vector<16xf32>,
      tpu.vector_store %arg8[%swap3A_344, %swap3A_345], %mul3A_343 {strides = array<i32>} : memref<128x768xf32, #tpu.memory_space<vmem>>, vector<16xf32>,
    }
    %scan3A_11 = arith.constant 128 : i32
    "tpu.region"() ({
      %run_scoped3A = tpu.sem_alloc : memref<!tpu.dma_semaphore, #tpu.memory_space<semaphore_mem>>
      %dma_start3A_12 = arith.constant 0 : i32
      %dma_start3A_13 = tpu.memref_slice %arg5[%mul3A_2, %dma_start3A_12] : memref<4096x768xf32, #tpu.memory_space<hbm>> -> memref<128x768xf32, #tpu.memory_space<hbm>>
      %dma_start3A_14 = arith.constant 0 : i32
      %dma_start3A_15 = tpu.memref_slice %arg5[%mul3A_2, %dma_start3A_14] : memref<4096x768xf32, #tpu.memory_space<hbm>> -> memref<128x768xf32, #tpu.memory_space<hbm>>
      tpu.enqueue_dma source(%arg8 : memref<128x768xf32, #tpu.memory_space<vmem>>) target(%dma_start3A_15 : memref<128x768xf32, #tpu.memory_space<hbm>>) target_semaphore(%run_scoped3A : memref<!tpu.dma_semaphore, #tpu.memory_space<semaphore_mem>>)
      %dma_wait3A_16 = arith.constant 0 : i32
      %dma_wait3A_17 = tpu.memref_slice %arg5[%mul3A_2, %dma_wait3A_16] : memref<4096x768xf32, #tpu.memory_space<hbm>> -> memref<128x768xf32, #tpu.memory_space<hbm>>
      %dma_wait3A_18 = arith.constant 0 : i32
      %dma_wait3A_19 = tpu.memref_slice %arg5[%mul3A_2, %dma_wait3A_18] : memref<4096x768xf32, #tpu.memory_space<hbm>> -> memref<128x768xf32, #tpu.memory_space<hbm>>
      tpu.wait_dma2 semaphore(%run_scoped3A : memref<!tpu.dma_semaphore, #tpu.memory_space<semaphore_mem>>) src(%arg8 : memref<128x768xf32, #tpu.memory_space<vmem>>) dst(%dma_wait3A_19 : memref<128x768xf32, #tpu.memory_space<hbm>>)
      tpu.yield
    }) : () -> ()
    return
  }
}

#map = affine_map<(d0, d1) -> (0, 0)>
#map1 = affine_map<(d0, d1) -> (0)>
module attributes {stable_mosaic.version = 14 : i64} {
  func.func @dispatch(%arg0: i32, %arg1: i32, %arg2: memref<4096x768xf32, #tpu.memory_space<hbm>>, %arg3: memref<4096xi32, #tpu.memory_space<hbm>>, %arg4: memref<4096xi32, #tpu.memory_space<hbm>>, %arg5: memref<128xi32, #tpu.memory_space<hbm>>, %arg6: memref<4096x768xf32, #tpu.memory_space<hbm>>, %arg7: memref<4096xi32, #tpu.memory_space<hbm>>, %arg8: memref<128xi32, #tpu.memory_space<vmem>>, %arg9: memref<128xi32, #tpu.memory_space<vmem>>, %arg10: memref<128xi32, #tpu.memory_space<vmem>>, %arg11: memref<128xi32, #tpu.memory_space<vmem>>, %arg12: memref<128x768xf32, #tpu.memory_space<vmem>>, %arg13: memref<!tpu.dma_semaphore, #tpu.memory_space<semaphore_mem>>) attributes {dimension_semantics = [#tpu.dimension_semantics<core_parallel>, #tpu.dimension_semantics<subcore_parallel>], iteration_bounds = array<i64: 2, 16>, scalar_prefetch = 0 : i64, scratch_operands = 6 : i64, tpu.core_type = #tpu.core_type<sc_vector_subcore>, window_params = [{transform_indices = #map}, {transform_indices = #map1}, {transform_indices = #map1}, {transform_indices = #map1}, {transform_indices = #map}, {transform_indices = #map1}]} {
    %mul3A = arith.constant 2 : i32
    %mul3A_0 = arith.muli %arg1, %mul3A : i32
    %add3A = arith.addi %mul3A_0, %arg0 : i32
    %mul3A_1 = arith.constant 128 : i32
    %mul3A_2 = arith.muli %add3A, %mul3A_1 : i32
    "tpu.region"() ({
      %run_scoped3A = tpu.sem_alloc : memref<!tpu.dma_semaphore, #tpu.memory_space<semaphore_mem>>
      %dma_start3A_68 = tpu.memref_slice %arg3[%mul3A_2] : memref<4096xi32, #tpu.memory_space<hbm>> -> memref<128xi32, #tpu.memory_space<hbm>>
      %dma_start3A_69 = tpu.memref_slice %arg3[%mul3A_2] : memref<4096xi32, #tpu.memory_space<hbm>> -> memref<128xi32, #tpu.memory_space<hbm>>
      tpu.enqueue_dma source(%dma_start3A_69 : memref<128xi32, #tpu.memory_space<hbm>>) target(%arg8 : memref<128xi32, #tpu.memory_space<vmem>>) target_semaphore(%run_scoped3A : memref<!tpu.dma_semaphore, #tpu.memory_space<semaphore_mem>>)
      %dma_wait3A_70 = tpu.memref_slice %arg3[%mul3A_2] : memref<4096xi32, #tpu.memory_space<hbm>> -> memref<128xi32, #tpu.memory_space<hbm>>
      %dma_wait3A_71 = tpu.memref_slice %arg3[%mul3A_2] : memref<4096xi32, #tpu.memory_space<hbm>> -> memref<128xi32, #tpu.memory_space<hbm>>
      tpu.wait_dma2 semaphore(%run_scoped3A : memref<!tpu.dma_semaphore, #tpu.memory_space<semaphore_mem>>) src(%dma_wait3A_71 : memref<128xi32, #tpu.memory_space<hbm>>) dst(%arg8 : memref<128xi32, #tpu.memory_space<vmem>>)
      tpu.yield
    }) : () -> ()
    "tpu.region"() ({
      %run_scoped3A = tpu.sem_alloc : memref<!tpu.dma_semaphore, #tpu.memory_space<semaphore_mem>>
      %dma_start3A_68 = tpu.memref_slice %arg4[%mul3A_2] : memref<4096xi32, #tpu.memory_space<hbm>> -> memref<128xi32, #tpu.memory_space<hbm>>
      %dma_start3A_69 = tpu.memref_slice %arg4[%mul3A_2] : memref<4096xi32, #tpu.memory_space<hbm>> -> memref<128xi32, #tpu.memory_space<hbm>>
      tpu.enqueue_dma source(%dma_start3A_69 : memref<128xi32, #tpu.memory_space<hbm>>) target(%arg9 : memref<128xi32, #tpu.memory_space<vmem>>) target_semaphore(%run_scoped3A : memref<!tpu.dma_semaphore, #tpu.memory_space<semaphore_mem>>)
      %dma_wait3A_70 = tpu.memref_slice %arg4[%mul3A_2] : memref<4096xi32, #tpu.memory_space<hbm>> -> memref<128xi32, #tpu.memory_space<hbm>>
      %dma_wait3A_71 = tpu.memref_slice %arg4[%mul3A_2] : memref<4096xi32, #tpu.memory_space<hbm>> -> memref<128xi32, #tpu.memory_space<hbm>>
      tpu.wait_dma2 semaphore(%run_scoped3A : memref<!tpu.dma_semaphore, #tpu.memory_space<semaphore_mem>>) src(%dma_wait3A_71 : memref<128xi32, #tpu.memory_space<hbm>>) dst(%arg9 : memref<128xi32, #tpu.memory_space<vmem>>)
      tpu.yield
    }) : () -> ()
    "tpu.region"() ({
      %run_scoped3A = tpu.sem_alloc : memref<!tpu.dma_semaphore, #tpu.memory_space<semaphore_mem>>
      tpu.enqueue_dma source(%arg5 : memref<128xi32, #tpu.memory_space<hbm>>) target(%arg10 : memref<128xi32, #tpu.memory_space<vmem>>) target_semaphore(%run_scoped3A : memref<!tpu.dma_semaphore, #tpu.memory_space<semaphore_mem>>)
      tpu.wait_dma2 semaphore(%run_scoped3A : memref<!tpu.dma_semaphore, #tpu.memory_space<semaphore_mem>>) src(%arg5 : memref<128xi32, #tpu.memory_space<hbm>>) dst(%arg10 : memref<128xi32, #tpu.memory_space<vmem>>)
      tpu.yield
    }) : () -> ()
    %get3A = arith.constant 0 : index
    %get3A_3 = tpu.vector_load %arg8[%get3A] {strides = array<i32>} : memref<128xi32, #tpu.memory_space<vmem>>, vector<16xi32>,
    %gather3A = tpu.vector_load_idx %arg10[%get3A_3] : memref<128xi32, #tpu.memory_space<vmem>>[vector<16xi32>], vector<16xi32>,
    %get3A_4 = arith.constant 0 : index
    %get3A_5 = tpu.vector_load %arg9[%get3A_4] {strides = array<i32>} : memref<128xi32, #tpu.memory_space<vmem>>, vector<16xi32>,
    %add3A_6 = arith.addi %gather3A, %get3A_5 : vector<16xi32>
    %swap3A = arith.constant 0 : index
    %swap3A_7 = tpu.vector_load %arg11[%swap3A] {strides = array<i32>} : memref<128xi32, #tpu.memory_space<vmem>>, vector<16xi32>,
    tpu.vector_store %arg11[%swap3A], %add3A_6 {strides = array<i32>} : memref<128xi32, #tpu.memory_space<vmem>>, vector<16xi32>,
    %get3A_8 = arith.constant 16 : index
    %get3A_9 = tpu.vector_load %arg8[%get3A_8] {strides = array<i32>} : memref<128xi32, #tpu.memory_space<vmem>>, vector<16xi32>,
    %gather3A_10 = tpu.vector_load_idx %arg10[%get3A_9] : memref<128xi32, #tpu.memory_space<vmem>>[vector<16xi32>], vector<16xi32>,
    %get3A_11 = arith.constant 16 : index
    %get3A_12 = tpu.vector_load %arg9[%get3A_11] {strides = array<i32>} : memref<128xi32, #tpu.memory_space<vmem>>, vector<16xi32>,
    %add3A_13 = arith.addi %gather3A_10, %get3A_12 : vector<16xi32>
    %swap3A_14 = arith.constant 16 : index
    %swap3A_15 = tpu.vector_load %arg11[%swap3A_14] {strides = array<i32>} : memref<128xi32, #tpu.memory_space<vmem>>, vector<16xi32>,
    tpu.vector_store %arg11[%swap3A_14], %add3A_13 {strides = array<i32>} : memref<128xi32, #tpu.memory_space<vmem>>, vector<16xi32>,
    %get3A_16 = arith.constant 32 : index
    %get3A_17 = tpu.vector_load %arg8[%get3A_16] {strides = array<i32>} : memref<128xi32, #tpu.memory_space<vmem>>, vector<16xi32>,
    %gather3A_18 = tpu.vector_load_idx %arg10[%get3A_17] : memref<128xi32, #tpu.memory_space<vmem>>[vector<16xi32>], vector<16xi32>,
    %get3A_19 = arith.constant 32 : index
    %get3A_20 = tpu.vector_load %arg9[%get3A_19] {strides = array<i32>} : memref<128xi32, #tpu.memory_space<vmem>>, vector<16xi32>,
    %add3A_21 = arith.addi %gather3A_18, %get3A_20 : vector<16xi32>
    %swap3A_22 = arith.constant 32 : index
    %swap3A_23 = tpu.vector_load %arg11[%swap3A_22] {strides = array<i32>} : memref<128xi32, #tpu.memory_space<vmem>>, vector<16xi32>,
    tpu.vector_store %arg11[%swap3A_22], %add3A_21 {strides = array<i32>} : memref<128xi32, #tpu.memory_space<vmem>>, vector<16xi32>,
    %get3A_24 = arith.constant 48 : index
    %get3A_25 = tpu.vector_load %arg8[%get3A_24] {strides = array<i32>} : memref<128xi32, #tpu.memory_space<vmem>>, vector<16xi32>,
    %gather3A_26 = tpu.vector_load_idx %arg10[%get3A_25] : memref<128xi32, #tpu.memory_space<vmem>>[vector<16xi32>], vector<16xi32>,
    %get3A_27 = arith.constant 48 : index
    %get3A_28 = tpu.vector_load %arg9[%get3A_27] {strides = array<i32>} : memref<128xi32, #tpu.memory_space<vmem>>, vector<16xi32>,
    %add3A_29 = arith.addi %gather3A_26, %get3A_28 : vector<16xi32>
    %swap3A_30 = arith.constant 48 : index
    %swap3A_31 = tpu.vector_load %arg11[%swap3A_30] {strides = array<i32>} : memref<128xi32, #tpu.memory_space<vmem>>, vector<16xi32>,
    tpu.vector_store %arg11[%swap3A_30], %add3A_29 {strides = array<i32>} : memref<128xi32, #tpu.memory_space<vmem>>, vector<16xi32>,
    %get3A_32 = arith.constant 64 : index
    %get3A_33 = tpu.vector_load %arg8[%get3A_32] {strides = array<i32>} : memref<128xi32, #tpu.memory_space<vmem>>, vector<16xi32>,
    %gather3A_34 = tpu.vector_load_idx %arg10[%get3A_33] : memref<128xi32, #tpu.memory_space<vmem>>[vector<16xi32>], vector<16xi32>,
    %get3A_35 = arith.constant 64 : index
    %get3A_36 = tpu.vector_load %arg9[%get3A_35] {strides = array<i32>} : memref<128xi32, #tpu.memory_space<vmem>>, vector<16xi32>,
    %add3A_37 = arith.addi %gather3A_34, %get3A_36 : vector<16xi32>
    %swap3A_38 = arith.constant 64 : index
    %swap3A_39 = tpu.vector_load %arg11[%swap3A_38] {strides = array<i32>} : memref<128xi32, #tpu.memory_space<vmem>>, vector<16xi32>,
    tpu.vector_store %arg11[%swap3A_38], %add3A_37 {strides = array<i32>} : memref<128xi32, #tpu.memory_space<vmem>>, vector<16xi32>,
    %get3A_40 = arith.constant 80 : index
    %get3A_41 = tpu.vector_load %arg8[%get3A_40] {strides = array<i32>} : memref<128xi32, #tpu.memory_space<vmem>>, vector<16xi32>,
    %gather3A_42 = tpu.vector_load_idx %arg10[%get3A_41] : memref<128xi32, #tpu.memory_space<vmem>>[vector<16xi32>], vector<16xi32>,
    %get3A_43 = arith.constant 80 : index
    %get3A_44 = tpu.vector_load %arg9[%get3A_43] {strides = array<i32>} : memref<128xi32, #tpu.memory_space<vmem>>, vector<16xi32>,
    %add3A_45 = arith.addi %gather3A_42, %get3A_44 : vector<16xi32>
    %swap3A_46 = arith.constant 80 : index
    %swap3A_47 = tpu.vector_load %arg11[%swap3A_46] {strides = array<i32>} : memref<128xi32, #tpu.memory_space<vmem>>, vector<16xi32>,
    tpu.vector_store %arg11[%swap3A_46], %add3A_45 {strides = array<i32>} : memref<128xi32, #tpu.memory_space<vmem>>, vector<16xi32>,
    %get3A_48 = arith.constant 96 : index
    %get3A_49 = tpu.vector_load %arg8[%get3A_48] {strides = array<i32>} : memref<128xi32, #tpu.memory_space<vmem>>, vector<16xi32>,
    %gather3A_50 = tpu.vector_load_idx %arg10[%get3A_49] : memref<128xi32, #tpu.memory_space<vmem>>[vector<16xi32>], vector<16xi32>,
    %get3A_51 = arith.constant 96 : index
    %get3A_52 = tpu.vector_load %arg9[%get3A_51] {strides = array<i32>} : memref<128xi32, #tpu.memory_space<vmem>>, vector<16xi32>,
    %add3A_53 = arith.addi %gather3A_50, %get3A_52 : vector<16xi32>
    %swap3A_54 = arith.constant 96 : index
    %swap3A_55 = tpu.vector_load %arg11[%swap3A_54] {strides = array<i32>} : memref<128xi32, #tpu.memory_space<vmem>>, vector<16xi32>,
    tpu.vector_store %arg11[%swap3A_54], %add3A_53 {strides = array<i32>} : memref<128xi32, #tpu.memory_space<vmem>>, vector<16xi32>,
    %get3A_56 = arith.constant 112 : index
    %get3A_57 = tpu.vector_load %arg8[%get3A_56] {strides = array<i32>} : memref<128xi32, #tpu.memory_space<vmem>>, vector<16xi32>,
    %gather3A_58 = tpu.vector_load_idx %arg10[%get3A_57] : memref<128xi32, #tpu.memory_space<vmem>>[vector<16xi32>], vector<16xi32>,
    %get3A_59 = arith.constant 112 : index
    %get3A_60 = tpu.vector_load %arg9[%get3A_59] {strides = array<i32>} : memref<128xi32, #tpu.memory_space<vmem>>, vector<16xi32>,
    %add3A_61 = arith.addi %gather3A_58, %get3A_60 : vector<16xi32>
    %swap3A_62 = arith.constant 112 : index
    %swap3A_63 = tpu.vector_load %arg11[%swap3A_62] {strides = array<i32>} : memref<128xi32, #tpu.memory_space<vmem>>, vector<16xi32>,
    tpu.vector_store %arg11[%swap3A_62], %add3A_61 {strides = array<i32>} : memref<128xi32, #tpu.memory_space<vmem>>, vector<16xi32>,
    "tpu.region"() ({
      %run_scoped3A = tpu.sem_alloc : memref<!tpu.dma_semaphore, #tpu.memory_space<semaphore_mem>>
      %dma_start3A_68 = arith.constant 0 : i32
      %dma_start3A_69 = tpu.memref_slice %arg2[%mul3A_2, %dma_start3A_68] : memref<4096x768xf32, #tpu.memory_space<hbm>> -> memref<128x768xf32, #tpu.memory_space<hbm>>
      %dma_start3A_70 = arith.constant 0 : i32
      %dma_start3A_71 = tpu.memref_slice %arg2[%mul3A_2, %dma_start3A_70] : memref<4096x768xf32, #tpu.memory_space<hbm>> -> memref<128x768xf32, #tpu.memory_space<hbm>>
      tpu.enqueue_dma source(%dma_start3A_71 : memref<128x768xf32, #tpu.memory_space<hbm>>) target(%arg12 : memref<128x768xf32, #tpu.memory_space<vmem>>) target_semaphore(%run_scoped3A : memref<!tpu.dma_semaphore, #tpu.memory_space<semaphore_mem>>)
      %dma_wait3A_72 = arith.constant 0 : i32
      %dma_wait3A_73 = tpu.memref_slice %arg2[%mul3A_2, %dma_wait3A_72] : memref<4096x768xf32, #tpu.memory_space<hbm>> -> memref<128x768xf32, #tpu.memory_space<hbm>>
      %dma_wait3A_74 = arith.constant 0 : i32
      %dma_wait3A_75 = tpu.memref_slice %arg2[%mul3A_2, %dma_wait3A_74] : memref<4096x768xf32, #tpu.memory_space<hbm>> -> memref<128x768xf32, #tpu.memory_space<hbm>>
      tpu.wait_dma2 semaphore(%run_scoped3A : memref<!tpu.dma_semaphore, #tpu.memory_space<semaphore_mem>>) src(%dma_wait3A_75 : memref<128x768xf32, #tpu.memory_space<hbm>>) dst(%arg12 : memref<128x768xf32, #tpu.memory_space<vmem>>)
      tpu.yield
    }) : () -> ()
    %dma_start3A = arith.constant 0 : i32
    %dma_start3A_64 = arith.constant 0 : i32
    %dma_start3A_65 = tpu.memref_slice %arg6[%dma_start3A, %dma_start3A_64] : memref<4096x768xf32, #tpu.memory_space<hbm>> -> memref<4096x768xf32, #tpu.memory_space<hbm>>
    tpu.enqueue_indirect_dma source(%arg12 : memref<128x768xf32, #tpu.memory_space<vmem>>) target(%dma_start3A_65 : memref<4096x768xf32, #tpu.memory_space<hbm>>) offsets(%arg11 : memref<128xi32, #tpu.memory_space<vmem>>) semaphore(%arg13 : memref<!tpu.dma_semaphore, #tpu.memory_space<semaphore_mem>>)
    %dma_wait3A = arith.constant 0 : i32
    %dma_wait3A_66 = arith.constant 0 : i32
    %dma_wait3A_67 = tpu.memref_slice %arg6[%dma_wait3A, %dma_wait3A_66] : memref<4096x768xf32, #tpu.memory_space<hbm>> -> memref<4096x768xf32, #tpu.memory_space<hbm>>
    tpu.wait_indirect_dma semaphore(%arg13 : memref<!tpu.dma_semaphore, #tpu.memory_space<semaphore_mem>>) src(%arg12 : memref<128x768xf32, #tpu.memory_space<vmem>>) dst(%dma_wait3A_67 : memref<4096x768xf32, #tpu.memory_space<hbm>>)
    "tpu.region"() ({
      %run_scoped3A = tpu.sem_alloc : memref<!tpu.dma_semaphore, #tpu.memory_space<semaphore_mem>>
      %dma_start3A_68 = tpu.memref_slice %arg7[%mul3A_2] : memref<4096xi32, #tpu.memory_space<hbm>> -> memref<128xi32, #tpu.memory_space<hbm>>
      %dma_start3A_69 = tpu.memref_slice %arg7[%mul3A_2] : memref<4096xi32, #tpu.memory_space<hbm>> -> memref<128xi32, #tpu.memory_space<hbm>>
      tpu.enqueue_dma source(%arg11 : memref<128xi32, #tpu.memory_space<vmem>>) target(%dma_start3A_69 : memref<128xi32, #tpu.memory_space<hbm>>) target_semaphore(%run_scoped3A : memref<!tpu.dma_semaphore, #tpu.memory_space<semaphore_mem>>)
      %dma_wait3A_70 = tpu.memref_slice %arg7[%mul3A_2] : memref<4096xi32, #tpu.memory_space<hbm>> -> memref<128xi32, #tpu.memory_space<hbm>>
      %dma_wait3A_71 = tpu.memref_slice %arg7[%mul3A_2] : memref<4096xi32, #tpu.memory_space<hbm>> -> memref<128xi32, #tpu.memory_space<hbm>>
      tpu.wait_dma2 semaphore(%run_scoped3A : memref<!tpu.dma_semaphore, #tpu.memory_space<semaphore_mem>>) src(%arg11 : memref<128xi32, #tpu.memory_space<vmem>>) dst(%dma_wait3A_71 : memref<128xi32, #tpu.memory_space<hbm>>)
      tpu.yield
    }) : () -> ()
    return
  }
}

module attributes {stable_mosaic.version = 14 : i64} {
  func.func @_router_body(%arg0: i32, %arg1: memref<1024x768xf32, #tpu.memory_space<vmem>>, %arg2: memref<768x64xf32, #tpu.memory_space<vmem>>, %arg3: memref<1x64xf32, #tpu.memory_space<vmem>>, %arg4: memref<1x1x1024xf32, #tpu.memory_space<vmem>>, %arg5: memref<1x1x1024xi32, #tpu.memory_space<vmem>>, %arg6: memref<1x1x1024xi32, #tpu.memory_space<vmem>>, %arg7: memref<1x128xi32, #tpu.memory_space<vmem>>, %arg8: memref<1x128xi32, #tpu.memory_space<vmem>>, %arg9: memref<1x128xi32, #tpu.memory_space<vmem>>, %arg10: memref<1x128xi32, #tpu.memory_space<vmem>>, %arg11: memref<8x64xf32, #tpu.memory_space<vmem>>) attributes {dimension_semantics = [#tpu.dimension_semantics<arbitrary>], iteration_bounds = array<i64: 4>, scalar_prefetch = 0 : i64, scratch_operands = 1 : i64, tpu.core_type = #tpu.core_type<tc>, window_params = [{transform_indices = @transform_0, window_bounds = array<i64: 1024, 768>}, {pipeline_mode = #tpu.pipeline_mode<synchronous>, transform_indices = @transform_1, window_bounds = array<i64: 768, 64>}, {pipeline_mode = #tpu.pipeline_mode<synchronous>, transform_indices = @transform_2, window_bounds = array<i64: 1, 64>}, {transform_indices = @transform_3, window_bounds = array<i64: 1, 1, 1024>}, {transform_indices = @transform_4, window_bounds = array<i64: 1, 1, 1024>}, {transform_indices = @transform_5, window_bounds = array<i64: 1, 1, 1024>}, {pipeline_mode = #tpu.pipeline_mode<synchronous>, transform_indices = @transform_6, window_bounds = array<i64: 1, 128>}, {pipeline_mode = #tpu.pipeline_mode<synchronous>, transform_indices = @transform_7, window_bounds = array<i64: 1, 128>}, {pipeline_mode = #tpu.pipeline_mode<synchronous>, transform_indices = @transform_8, window_bounds = array<i64: 1, 128>}, {pipeline_mode = #tpu.pipeline_mode<synchronous>, transform_indices = @transform_9, window_bounds = array<i64: 1, 128>}]} {
    %eq3A = arith.constant 0 : i32
    %eq3A_0 = arith.cmpi eq, %arg0, %eq3A : i32
    %convert_element_type3A = arith.extui %eq3A_0 : i1 to i32
    %cond3A = arith.constant 0 : i32
    %cond3A_1 = arith.cmpi ne, %convert_element_type3A, %cond3A : i32
    scf.if %cond3A_1 {
      %broadcast_in_dim3A_70 = arith.constant 0.000000e+00 : f32
      %broadcast_in_dim3A_71 = vector.broadcast %broadcast_in_dim3A_70 : f32 to vector<8x64xf32>
      %swap3A_72 = arith.constant 0 : index
      %swap3A_73 = arith.constant 0 : index
      %swap3A_74 = vector.load %arg11[%swap3A_72, %swap3A_73] : memref<8x64xf32, #tpu.memory_space<vmem>>, vector<8x64xf32>
      tpu.vector_store %arg11[%swap3A_72, %swap3A_73], %broadcast_in_dim3A_71 {strides = array<i32>} : memref<8x64xf32, #tpu.memory_space<vmem>>, vector<8x64xf32>,
    } else {
    }
    %get3A = arith.constant 0 : index
    %get3A_2 = arith.constant 0 : index
    %get3A_3 = vector.load %arg1[%get3A, %get3A_2] : memref<1024x768xf32, #tpu.memory_space<vmem>>, vector<1024x768xf32>
    %get3A_4 = arith.constant 0 : index
    %get3A_5 = arith.constant 0 : index
    %get3A_6 = vector.load %arg2[%get3A_4, %get3A_5] : memref<768x64xf32, #tpu.memory_space<vmem>>, vector<768x64xf32>
    %dot_general3A = arith.constant dense<0.000000e+00> : vector<1024x64xf32>
    %dot_general3A_7 = tpu.matmul %get3A_3, %get3A_6, %dot_general3A {dimension_numbers = #tpu.dot_dimension_numbers<[1], [0], [0], [1], [0, 0, 1, 1], [], []>, transpose_lhs_hint = false} : vector<1024x768xf32>, vector<768x64xf32>, vector<1024x64xf32> -> vector<1024x64xf32>
    %get3A_8 = arith.constant 0 : index
    %get3A_9 = arith.constant 0 : index
    %get3A_10 = vector.load %arg3[%get3A_8, %get3A_9] : memref<1x64xf32, #tpu.memory_space<vmem>>, vector<1x64xf32>
    %add3A = vector.broadcast %get3A_10 : vector<1x64xf32> to vector<1024x64xf32>
    %add3A_11 = arith.addf %dot_general3A_7, %add3A : vector<1024x64xf32>
    %reduce_max3A = arith.constant dense<0xFF800000> : vector<1024xf32>
    %reduce_max3A_12 = vector.multi_reduction <maximumf>, %add3A_11, %reduce_max3A [1] : vector<1024x64xf32> to vector<1024xf32>
    %broadcast_in_dim3A = vector.shape_cast %reduce_max3A_12 : vector<1024xf32> to vector<1024x1xf32>
    %iota3A = tpu.iota {dimensions = array<i32: 1>} : vector<1024x64xi32>
    %eq3A_13 = vector.broadcast %broadcast_in_dim3A : vector<1024x1xf32> to vector<1024x64xf32>
    %eq3A_14 = arith.cmpf oeq, %add3A_11, %eq3A_13 : vector<1024x64xf32>
    %jit3A = arith.constant 64 : i32
    %broadcast_in_dim3A_15 = vector.broadcast %jit3A : i32 to vector<1024x64xi32>
    %select_n3A = arith.select %eq3A_14, %iota3A, %broadcast_in_dim3A_15 : vector<1024x64xi1>, vector<1024x64xi32>
    %reduce_min3A = arith.constant dense<2147483647> : vector<1024xi32>
    %reduce_min3A_16 = vector.multi_reduction <minsi>, %select_n3A, %reduce_min3A [1] : vector<1024x64xi32> to vector<1024xi32>
    %sub3A = vector.broadcast %broadcast_in_dim3A : vector<1024x1xf32> to vector<1024x64xf32>
    %sub3A_17 = arith.subf %add3A_11, %sub3A : vector<1024x64xf32>
    %exp3A = math.exp %sub3A_17 : vector<1024x64xf32>
    %reduce_sum3A = arith.constant dense<0.000000e+00> : vector<1024xf32>
    %reduce_sum3A_18 = vector.multi_reduction <add>, %exp3A, %reduce_sum3A [1] : vector<1024x64xf32> to vector<1024xf32>
    %div3A = arith.constant 1.000000e+00 : f32
    %div3A_19 = vector.broadcast %div3A : f32 to vector<1024xf32>
    %div3A_20 = arith.divf %div3A_19, %reduce_sum3A_18 : vector<1024xf32>
    %swap3A = arith.constant 0 : index
    %swap3A_21 = arith.constant 0 : index
    %swap3A_22 = arith.constant 0 : index
    %swap3A_23 = vector.load %arg4[%swap3A, %swap3A_21, %swap3A_22] : memref<1x1x1024xf32, #tpu.memory_space<vmem>>, vector<1x1x1024xf32>
    %swap3A_24 = vector.shape_cast %swap3A_23 : vector<1x1x1024xf32> to vector<1024xf32>
    %swap3A_25 = vector.shape_cast %div3A_20 : vector<1024xf32> to vector<1x1x1024xf32>
    tpu.vector_store %arg4[%swap3A, %swap3A_21, %swap3A_22], %swap3A_25 {strides = array<i32>} : memref<1x1x1024xf32, #tpu.memory_space<vmem>>, vector<1x1x1024xf32>,
    %swap3A_26 = arith.constant 0 : index
    %swap3A_27 = arith.constant 0 : index
    %swap3A_28 = arith.constant 0 : index
    %swap3A_29 = vector.load %arg5[%swap3A_26, %swap3A_27, %swap3A_28] : memref<1x1x1024xi32, #tpu.memory_space<vmem>>, vector<1x1x1024xi32>
    %swap3A_30 = vector.shape_cast %swap3A_29 : vector<1x1x1024xi32> to vector<1024xi32>
    %swap3A_31 = vector.shape_cast %reduce_min3A_16 : vector<1024xi32> to vector<1x1x1024xi32>
    tpu.vector_store %arg5[%swap3A_26, %swap3A_27, %swap3A_28], %swap3A_31 {strides = array<i32>} : memref<1x1x1024xi32, #tpu.memory_space<vmem>>, vector<1x1x1024xi32>,
    %broadcast_in_dim3A_32 = vector.shape_cast %reduce_min3A_16 : vector<1024xi32> to vector<1024x1xi32>
    %iota3A_33 = tpu.iota {dimensions = array<i32: 1>} : vector<1024x64xi32>
    %eq3A_34 = vector.broadcast %broadcast_in_dim3A_32 : vector<1024x1xi32> to vector<1024x64xi32>
    %eq3A_35 = arith.cmpi eq, %eq3A_34, %iota3A_33 : vector<1024x64xi32>
    %convert_element_type3A_36 = arith.extui %eq3A_35 : vector<1024x64xi1> to vector<1024x64xi32>
    %convert_element_type3A_37 = arith.sitofp %convert_element_type3A_36 : vector<1024x64xi32> to vector<1024x64xf32>
    %iota3A_38 = tpu.iota {dimensions = array<i32: 0>} : vector<1024x1024xi32>
    %iota3A_39 = tpu.iota {dimensions = array<i32: 1>} : vector<1024x1024xi32>
    %gt3A = arith.cmpi sgt, %iota3A_38, %iota3A_39 : vector<1024x1024xi32>
    %convert_element_type3A_40 = arith.extui %gt3A : vector<1024x1024xi1> to vector<1024x1024xi32>
    %convert_element_type3A_41 = arith.sitofp %convert_element_type3A_40 : vector<1024x1024xi32> to vector<1024x1024xf32>
    %dot_general3A_42 = arith.constant dense<0.000000e+00> : vector<1024x64xf32>
    %dot_general3A_43 = tpu.matmul %convert_element_type3A_41, %convert_element_type3A_37, %dot_general3A_42 {dimension_numbers = #tpu.dot_dimension_numbers<[1], [0], [0], [1], [0, 0, 1, 1], [], []>, transpose_lhs_hint = false} : vector<1024x1024xf32>, vector<1024x64xf32>, vector<1024x64xf32> -> vector<1024x64xf32>
    %get3A_44 = arith.constant 0 : index
    %get3A_45 = arith.constant 0 : index
    %get3A_46 = vector.load %arg11[%get3A_44, %get3A_45] : memref<8x64xf32, #tpu.memory_space<vmem>>, vector<1x64xf32>
    %add3A_47 = vector.broadcast %get3A_46 : vector<1x64xf32> to vector<1024x64xf32>
    %add3A_48 = arith.addf %add3A_47, %dot_general3A_43 : vector<1024x64xf32>
    %mul3A = arith.mulf %convert_element_type3A_37, %add3A_48 : vector<1024x64xf32>
    %reduce_sum3A_49 = arith.constant dense<0.000000e+00> : vector<1024xf32>
    %reduce_sum3A_50 = vector.multi_reduction <add>, %mul3A, %reduce_sum3A_49 [1] : vector<1024x64xf32> to vector<1024xf32>
    %convert_element_type3A_51 = arith.fptosi %reduce_sum3A_50 : vector<1024xf32> to vector<1024xi32>
    %swap3A_52 = arith.constant 0 : index
    %swap3A_53 = arith.constant 0 : index
    %swap3A_54 = arith.constant 0 : index
    %swap3A_55 = vector.load %arg6[%swap3A_52, %swap3A_53, %swap3A_54] : memref<1x1x1024xi32, #tpu.memory_space<vmem>>, vector<1x1x1024xi32>
    %swap3A_56 = vector.shape_cast %swap3A_55 : vector<1x1x1024xi32> to vector<1024xi32>
    %swap3A_57 = vector.shape_cast %convert_element_type3A_51 : vector<1024xi32> to vector<1x1x1024xi32>
    tpu.vector_store %arg6[%swap3A_52, %swap3A_53, %swap3A_54], %swap3A_57 {strides = array<i32>} : memref<1x1x1024xi32, #tpu.memory_space<vmem>>, vector<1x1x1024xi32>,
    %reduce_sum3A_58 = arith.constant dense<0.000000e+00> : vector<64xf32>
    %reduce_sum3A_59 = vector.multi_reduction <add>, %convert_element_type3A_37, %reduce_sum3A_58 [0] : vector<1024x64xf32> to vector<64xf32>
    %broadcast_in_dim3A_60 = vector.shape_cast %reduce_sum3A_59 : vector<64xf32> to vector<1x64xf32>
    %add3A_61 = arith.addf %get3A_46, %broadcast_in_dim3A_60 : vector<1x64xf32>
    %swap3A_62 = arith.constant 0 : index
    %swap3A_63 = arith.constant 0 : index
    %swap3A_64 = vector.load %arg11[%swap3A_62, %swap3A_63] : memref<8x64xf32, #tpu.memory_space<vmem>>, vector<1x64xf32>
    tpu.vector_store %arg11[%swap3A_62, %swap3A_63], %add3A_61 {strides = array<i32>} : memref<8x64xf32, #tpu.memory_space<vmem>>, vector<1x64xf32>,
    %eq3A_65 = arith.constant 3 : i32
    %eq3A_66 = arith.cmpi eq, %arg0, %eq3A_65 : i32
    %convert_element_type3A_67 = arith.extui %eq3A_66 : i1 to i32
    %cond3A_68 = arith.constant 0 : i32
    %cond3A_69 = arith.cmpi ne, %convert_element_type3A_67, %cond3A_68 : i32
    scf.if %cond3A_69 {
      %broadcast_in_dim3A_70 = arith.constant 0.000000e+00 : f32
      %broadcast_in_dim3A_71 = vector.broadcast %broadcast_in_dim3A_70 : f32 to vector<1x64xf32>
      %concatenate3A = tpu.concatenate %add3A_61, %broadcast_in_dim3A_71 in 1 : vector<1x64xf32>, vector<1x64xf32> -> vector<1x128xf32>
      %iota3A_72 = tpu.iota {dimensions = array<i32: 0>} : vector<128x128xi32>
      %iota3A_73 = tpu.iota {dimensions = array<i32: 1>} : vector<128x128xi32>
      %lt3A = arith.cmpi slt, %iota3A_72, %iota3A_73 : vector<128x128xi32>
      %convert_element_type3A_74 = arith.extui %lt3A : vector<128x128xi1> to vector<128x128xi32>
      %convert_element_type3A_75 = arith.sitofp %convert_element_type3A_74 : vector<128x128xi32> to vector<128x128xf32>
      %dot_general3A_76 = arith.constant dense<0.000000e+00> : vector<1x128xf32>
      %dot_general3A_77 = tpu.matmul %concatenate3A, %convert_element_type3A_75, %dot_general3A_76 {dimension_numbers = #tpu.dot_dimension_numbers<[1], [0], [0], [1], [0, 0, 1, 1], [], []>, transpose_lhs_hint = false} : vector<1x128xf32>, vector<128x128xf32>, vector<1x128xf32> -> vector<1x128xf32>
      %squeeze3A = vector.shape_cast %dot_general3A_77 : vector<1x128xf32> to vector<128xf32>
      %convert_element_type3A_78 = arith.fptosi %squeeze3A : vector<128xf32> to vector<128xi32>
      %swap3A_79 = arith.constant 0 : index
      %swap3A_80 = arith.constant 0 : index
      %swap3A_81 = vector.load %arg7[%swap3A_79, %swap3A_80] : memref<1x128xi32, #tpu.memory_space<vmem>>, vector<1x128xi32>
      %swap3A_82 = vector.shape_cast %swap3A_81 : vector<1x128xi32> to vector<128xi32>
      %swap3A_83 = vector.shape_cast %convert_element_type3A_78 : vector<128xi32> to vector<1x128xi32>
      tpu.vector_store %arg7[%swap3A_79, %swap3A_80], %swap3A_83 {strides = array<i32>} : memref<1x128xi32, #tpu.memory_space<vmem>>, vector<1x128xi32>,
      %add3A_84 = arith.addf %dot_general3A_77, %concatenate3A : vector<1x128xf32>
      %iota3A_85 = tpu.iota {dimensions = array<i32: 0>} : vector<32x1xi32>
      %convert_element_type3A_86 = arith.sitofp %iota3A_85 : vector<32x1xi32> to vector<32x1xf32>
      %mul3A_87 = arith.constant 1.280000e+02 : f32
      %mul3A_88 = vector.broadcast %mul3A_87 : f32 to vector<32x1xf32>
      %mul3A_89 = arith.mulf %convert_element_type3A_86, %mul3A_88 : vector<32x1xf32>
      %le3A = vector.broadcast %add3A_84 : vector<1x128xf32> to vector<32x128xf32>
      %le3A_90 = vector.broadcast %mul3A_89 : vector<32x1xf32> to vector<32x128xf32>
      %le3A_91 = arith.cmpf ole, %le3A, %le3A_90 : vector<32x128xf32>
      %convert_element_type3A_92 = arith.extui %le3A_91 : vector<32x128xi1> to vector<32x128xi32>
      %convert_element_type3A_93 = arith.sitofp %convert_element_type3A_92 : vector<32x128xi32> to vector<32x128xf32>
      %reduce_sum3A_94 = arith.constant dense<0.000000e+00> : vector<32xf32>
      %reduce_sum3A_95 = vector.multi_reduction <add>, %convert_element_type3A_93, %reduce_sum3A_94 [1] : vector<32x128xf32> to vector<32xf32>
      %broadcast_in_dim3A_96 = vector.shape_cast %reduce_sum3A_95 : vector<32xf32> to vector<32x1xf32>
      %add3A_97 = arith.constant 1.270000e+02 : f32
      %add3A_98 = vector.broadcast %add3A_97 : f32 to vector<32x1xf32>
      %add3A_99 = arith.addf %mul3A_89, %add3A_98 : vector<32x1xf32>
      %le3A_100 = vector.broadcast %add3A_84 : vector<1x128xf32> to vector<32x128xf32>
      %le3A_101 = vector.broadcast %add3A_99 : vector<32x1xf32> to vector<32x128xf32>
      %le3A_102 = arith.cmpf ole, %le3A_100, %le3A_101 : vector<32x128xf32>
      %convert_element_type3A_103 = arith.extui %le3A_102 : vector<32x128xi1> to vector<32x128xi32>
      %convert_element_type3A_104 = arith.sitofp %convert_element_type3A_103 : vector<32x128xi32> to vector<32x128xf32>
      %reduce_sum3A_105 = arith.constant dense<0.000000e+00> : vector<32xf32>
      %reduce_sum3A_106 = vector.multi_reduction <add>, %convert_element_type3A_104, %reduce_sum3A_105 [1] : vector<32x128xf32> to vector<32xf32>
      %broadcast_in_dim3A_107 = vector.shape_cast %reduce_sum3A_106 : vector<32xf32> to vector<32x1xf32>
      %sub3A_108 = arith.subf %broadcast_in_dim3A_107, %broadcast_in_dim3A_96 : vector<32x1xf32>
      %add3A_109 = arith.constant 1.000000e+00 : f32
      %add3A_110 = vector.broadcast %add3A_109 : f32 to vector<32x1xf32>
      %add3A_111 = arith.addf %sub3A_108, %add3A_110 : vector<32x1xf32>
      %iota3A_112 = tpu.iota {dimensions = array<i32: 0>} : vector<32x32xi32>
      %iota3A_113 = tpu.iota {dimensions = array<i32: 1>} : vector<32x32xi32>
      %gt3A_114 = arith.cmpi sgt, %iota3A_112, %iota3A_113 : vector<32x32xi32>
      %convert_element_type3A_115 = arith.extui %gt3A_114 : vector<32x32xi1> to vector<32x32xi32>
      %convert_element_type3A_116 = arith.sitofp %convert_element_type3A_115 : vector<32x32xi32> to vector<32x32xf32>
      %dot_general3A_117 = arith.constant dense<0.000000e+00> : vector<32x1xf32>
      %dot_general3A_118 = tpu.matmul %convert_element_type3A_116, %add3A_111, %dot_general3A_117 {dimension_numbers = #tpu.dot_dimension_numbers<[1], [0], [0], [1], [0, 0, 1, 1], [], []>, transpose_lhs_hint = false} : vector<32x32xf32>, vector<32x1xf32>, vector<32x1xf32> -> vector<32x1xf32>
      %reduce_sum3A_119 = vector.shape_cast %add3A_111 : vector<32x1xf32> to vector<1x32x1xf32>
      %reduce_sum3A_120 = arith.constant dense<0.000000e+00> : vector<1xf32>
      %reduce_sum3A_121 = vector.multi_reduction <add>, %reduce_sum3A_119, %reduce_sum3A_120 [1, 2] : vector<1x32x1xf32> to vector<1xf32>
      %reduce_sum3A_122 = vector.shape_cast %reduce_sum3A_121 : vector<1xf32> to vector<1x1x1xf32>
      %reduce_sum3A_123 = vector.extract %reduce_sum3A_122[0, 0, 0] : f32 from vector<1x1x1xf32>
      %iota3A_124 = tpu.iota {dimensions = array<i32: 1>} : vector<1x128xi32>
      %convert_element_type3A_125 = arith.sitofp %iota3A_124 : vector<1x128xi32> to vector<1x128xf32>
      %le3A_126 = vector.broadcast %dot_general3A_118 : vector<32x1xf32> to vector<32x128xf32>
      %le3A_127 = vector.broadcast %convert_element_type3A_125 : vector<1x128xf32> to vector<32x128xf32>
      %le3A_128 = arith.cmpf ole, %le3A_126, %le3A_127 : vector<32x128xf32>
      %convert_element_type3A_129 = arith.extui %le3A_128 : vector<32x128xi1> to vector<32x128xi32>
      %convert_element_type3A_130 = arith.sitofp %convert_element_type3A_129 : vector<32x128xi32> to vector<32x128xf32>
      %broadcast_in_dim3A_131 = arith.constant 1.000000e+00 : f32
      %broadcast_in_dim3A_132 = vector.broadcast %broadcast_in_dim3A_131 : f32 to vector<1x32xf32>
      %dot_general3A_133 = arith.constant dense<0.000000e+00> : vector<1x128xf32>
      %dot_general3A_134 = tpu.matmul %broadcast_in_dim3A_132, %convert_element_type3A_130, %dot_general3A_133 {dimension_numbers = #tpu.dot_dimension_numbers<[1], [0], [0], [1], [0, 0, 1, 1], [], []>, transpose_lhs_hint = false} : vector<1x32xf32>, vector<32x128xf32>, vector<1x128xf32> -> vector<1x128xf32>
      %sub3A_135 = arith.constant 1.000000e+00 : f32
      %sub3A_136 = vector.broadcast %sub3A_135 : f32 to vector<1x128xf32>
      %sub3A_137 = arith.subf %dot_general3A_134, %sub3A_136 : vector<1x128xf32>
      %iota3A_138 = tpu.iota {dimensions = array<i32: 0>} : vector<32x1xi32>
      %convert_element_type3A_139 = arith.sitofp %iota3A_138 : vector<32x1xi32> to vector<32x1xf32>
      %eq3A_140 = vector.broadcast %sub3A_137 : vector<1x128xf32> to vector<32x128xf32>
      %eq3A_141 = vector.broadcast %convert_element_type3A_139 : vector<32x1xf32> to vector<32x128xf32>
      %eq3A_142 = arith.cmpf oeq, %eq3A_140, %eq3A_141 : vector<32x128xf32>
      %convert_element_type3A_143 = arith.extui %eq3A_142 : vector<32x128xi1> to vector<32x128xi32>
      %convert_element_type3A_144 = arith.sitofp %convert_element_type3A_143 : vector<32x128xi32> to vector<32x128xf32>
      %dot_general3A_145 = arith.constant dense<0.000000e+00> : vector<1x128xf32>
      %dot_general3A_146 = tpu.matmul %broadcast_in_dim3A_96, %convert_element_type3A_144, %dot_general3A_145 {dimension_numbers = #tpu.dot_dimension_numbers<[0], [0], [1], [1], [0, 1, 1, 1], [], []>, transpose_lhs_hint = false} : vector<32x1xf32>, vector<32x128xf32>, vector<1x128xf32> -> vector<1x128xf32>
      %dot_general3A_147 = arith.constant dense<0.000000e+00> : vector<1x128xf32>
      %dot_general3A_148 = tpu.matmul %dot_general3A_118, %convert_element_type3A_144, %dot_general3A_147 {dimension_numbers = #tpu.dot_dimension_numbers<[0], [0], [1], [1], [0, 1, 1, 1], [], []>, transpose_lhs_hint = false} : vector<32x1xf32>, vector<32x128xf32>, vector<1x128xf32> -> vector<1x128xf32>
      %dot_general3A_149 = arith.constant dense<0.000000e+00> : vector<1x128xf32>
      %dot_general3A_150 = tpu.matmul %broadcast_in_dim3A_107, %convert_element_type3A_144, %dot_general3A_149 {dimension_numbers = #tpu.dot_dimension_numbers<[0], [0], [1], [1], [0, 1, 1, 1], [], []>, transpose_lhs_hint = false} : vector<32x1xf32>, vector<32x128xf32>, vector<1x128xf32> -> vector<1x128xf32>
      %add3A_151 = arith.addf %dot_general3A_146, %convert_element_type3A_125 : vector<1x128xf32>
      %sub3A_152 = arith.subf %add3A_151, %dot_general3A_148 : vector<1x128xf32>
      %min3A = arith.minimumf %sub3A_152, %dot_general3A_150 : vector<1x128xf32>
      %squeeze3A_153 = vector.shape_cast %sub3A_137 : vector<1x128xf32> to vector<128xf32>
      %convert_element_type3A_154 = arith.fptosi %squeeze3A_153 : vector<128xf32> to vector<128xi32>
      %swap3A_155 = arith.constant 0 : index
      %swap3A_156 = arith.constant 0 : index
      %swap3A_157 = vector.load %arg8[%swap3A_155, %swap3A_156] : memref<1x128xi32, #tpu.memory_space<vmem>>, vector<1x128xi32>
      %swap3A_158 = vector.shape_cast %swap3A_157 : vector<1x128xi32> to vector<128xi32>
      %swap3A_159 = vector.shape_cast %convert_element_type3A_154 : vector<128xi32> to vector<1x128xi32>
      tpu.vector_store %arg8[%swap3A_155, %swap3A_156], %swap3A_159 {strides = array<i32>} : memref<1x128xi32, #tpu.memory_space<vmem>>, vector<1x128xi32>,
      %squeeze3A_160 = vector.shape_cast %min3A : vector<1x128xf32> to vector<128xf32>
      %convert_element_type3A_161 = arith.fptosi %squeeze3A_160 : vector<128xf32> to vector<128xi32>
      %swap3A_162 = arith.constant 0 : index
      %swap3A_163 = arith.constant 0 : index
      %swap3A_164 = vector.load %arg9[%swap3A_162, %swap3A_163] : memref<1x128xi32, #tpu.memory_space<vmem>>, vector<1x128xi32>
      %swap3A_165 = vector.shape_cast %swap3A_164 : vector<1x128xi32> to vector<128xi32>
      %swap3A_166 = vector.shape_cast %convert_element_type3A_161 : vector<128xi32> to vector<1x128xi32>
      tpu.vector_store %arg9[%swap3A_162, %swap3A_163], %swap3A_166 {strides = array<i32>} : memref<1x128xi32, #tpu.memory_space<vmem>>, vector<1x128xi32>,
      %squeeze3A_167 = vector.shape_cast %convert_element_type3A_125 : vector<1x128xf32> to vector<128xf32>
      %lt3A_168 = vector.broadcast %reduce_sum3A_123 : f32 to vector<128xf32>
      %lt3A_169 = arith.cmpf olt, %squeeze3A_167, %lt3A_168 : vector<128xf32>
      %convert_element_type3A_170 = arith.extui %lt3A_169 : vector<128xi1> to vector<128xi32>
      %swap3A_171 = arith.constant 0 : index
      %swap3A_172 = arith.constant 0 : index
      %swap3A_173 = vector.load %arg10[%swap3A_171, %swap3A_172] : memref<1x128xi32, #tpu.memory_space<vmem>>, vector<1x128xi32>
      %swap3A_174 = vector.shape_cast %swap3A_173 : vector<1x128xi32> to vector<128xi32>
      %swap3A_175 = vector.shape_cast %convert_element_type3A_170 : vector<128xi32> to vector<1x128xi32>
      tpu.vector_store %arg10[%swap3A_171, %swap3A_172], %swap3A_175 {strides = array<i32>} : memref<1x128xi32, #tpu.memory_space<vmem>>, vector<1x128xi32>,
    } else {
    }
    return
  }
  func.func @transform_0(%arg0: i32) -> (i32, i32) {
    %c0_i32 = arith.constant 0 : i32
    %c0_i32_0 = arith.constant 0 : i32
    return %arg0, %c0_i32 : i32, i32
  }
  func.func @transform_1(%arg0: i32) -> (i32, i32) {
    %c0_i32 = arith.constant 0 : i32
    %c0_i32_0 = arith.constant 0 : i32
    %c0_i32_1 = arith.constant 0 : i32
    return %c0_i32, %c0_i32_0 : i32, i32
  }
  func.func @transform_2(%arg0: i32) -> (i32, i32) {
    %c0_i32 = arith.constant 0 : i32
    %c0_i32_0 = arith.constant 0 : i32
    %c0_i32_1 = arith.constant 0 : i32
    return %c0_i32, %c0_i32_0 : i32, i32
  }
  func.func @transform_3(%arg0: i32) -> (i32, i32, i32) {
    %c0_i32 = arith.constant 0 : i32
    %c0_i32_0 = arith.constant 0 : i32
    %c0_i32_1 = arith.constant 0 : i32
    return %arg0, %c0_i32, %c0_i32_0 : i32, i32, i32
  }
  func.func @transform_4(%arg0: i32) -> (i32, i32, i32) {
    %c0_i32 = arith.constant 0 : i32
    %c0_i32_0 = arith.constant 0 : i32
    %c0_i32_1 = arith.constant 0 : i32
    return %arg0, %c0_i32, %c0_i32_0 : i32, i32, i32
  }
  func.func @transform_5(%arg0: i32) -> (i32, i32, i32) {
    %c0_i32 = arith.constant 0 : i32
    %c0_i32_0 = arith.constant 0 : i32
    %c0_i32_1 = arith.constant 0 : i32
    return %arg0, %c0_i32, %c0_i32_0 : i32, i32, i32
  }
  func.func @transform_6(%arg0: i32) -> (i32, i32) {
    %c0_i32 = arith.constant 0 : i32
    %c0_i32_0 = arith.constant 0 : i32
    %c0_i32_1 = arith.constant 0 : i32
    return %c0_i32, %c0_i32_0 : i32, i32
  }
  func.func @transform_7(%arg0: i32) -> (i32, i32) {
    %c0_i32 = arith.constant 0 : i32
    %c0_i32_0 = arith.constant 0 : i32
    %c0_i32_1 = arith.constant 0 : i32
    return %c0_i32, %c0_i32_0 : i32, i32
  }
  func.func @transform_8(%arg0: i32) -> (i32, i32) {
    %c0_i32 = arith.constant 0 : i32
    %c0_i32_0 = arith.constant 0 : i32
    %c0_i32_1 = arith.constant 0 : i32
    return %c0_i32, %c0_i32_0 : i32, i32
  }
  func.func @transform_9(%arg0: i32) -> (i32, i32) {
    %c0_i32 = arith.constant 0 : i32
    %c0_i32_0 = arith.constant 0 : i32
    %c0_i32_1 = arith.constant 0 : i32
    return %c0_i32, %c0_i32_0 : i32, i32
  }
}

module attributes {stable_mosaic.version = 14 : i64} {
  func.func @_ffn_body(%arg0: i32, %arg1: memref<128xi32, #tpu.memory_space<smem>>, %arg2: memref<128xi32, #tpu.memory_space<smem>>, %arg3: memref<128xi32, #tpu.memory_space<smem>>, %arg4: memref<128xi32, #tpu.memory_space<smem>>, %arg5: memref<128x768xf32, #tpu.memory_space<vmem>>, %arg6: memref<1x768x1024xf32, #tpu.memory_space<vmem>>, %arg7: memref<1x1x1024xf32, #tpu.memory_space<vmem>>, %arg8: memref<1x1024x768xf32, #tpu.memory_space<vmem>>, %arg9: memref<1x1x768xf32, #tpu.memory_space<vmem>>, %arg10: memref<128x768xf32, #tpu.memory_space<vmem>>) attributes {dimension_semantics = [#tpu.dimension_semantics<arbitrary>], iteration_bounds = array<i64: 95>, scalar_prefetch = 4 : i64, scratch_operands = 0 : i64, tpu.core_type = #tpu.core_type<tc>, window_params = [{transform_indices = @transform_0, window_bounds = array<i64: 128, 768>}, {transform_indices = @transform_1, window_bounds = array<i64: 1, 768, 1024>}, {transform_indices = @transform_2, window_bounds = array<i64: 1, 1, 1024>}, {transform_indices = @transform_3, window_bounds = array<i64: 1, 1024, 768>}, {transform_indices = @transform_4, window_bounds = array<i64: 1, 1, 768>}, {transform_indices = @transform_5, window_bounds = array<i64: 128, 768>}]} {
    %get3A = arith.index_cast %arg0 : i32 to index
    %get3A_0 = memref.load %arg1[%get3A] : memref<128xi32, #tpu.memory_space<smem>>
    %sub3A = arith.constant 1 : i32
    %sub3A_1 = arith.subi %arg0, %sub3A : i32
    %max3A = arith.constant 0 : i32
    %max3A_2 = arith.maxsi %sub3A_1, %max3A : i32
    %get3A_3 = arith.index_cast %max3A_2 : i32 to index
    %get3A_4 = memref.load %arg1[%get3A_3] : memref<128xi32, #tpu.memory_space<smem>>
    %eq3A = arith.constant 0 : i32
    %eq3A_5 = arith.cmpi eq, %arg0, %eq3A : i32
    %ne3A = arith.cmpi ne, %get3A_4, %get3A_0 : i32
    %or3A = arith.ori %eq3A_5, %ne3A : i1
    %convert_element_type3A = arith.extui %or3A : i1 to i32
    %cond3A = arith.constant 0 : i32
    %cond3A_6 = arith.cmpi ne, %convert_element_type3A, %cond3A : i32
    scf.if %cond3A_6 {
      %broadcast_in_dim3A = arith.constant 0.000000e+00 : f32
      %broadcast_in_dim3A_14 = vector.broadcast %broadcast_in_dim3A : f32 to vector<128x768xf32>
      %swap3A = arith.constant 0 : index
      %swap3A_15 = arith.constant 0 : index
      %swap3A_16 = vector.load %arg10[%swap3A, %swap3A_15] : memref<128x768xf32, #tpu.memory_space<vmem>>, vector<128x768xf32>
      tpu.vector_store %arg10[%swap3A, %swap3A_15], %broadcast_in_dim3A_14 {strides = array<i32>} : memref<128x768xf32, #tpu.memory_space<vmem>>, vector<128x768xf32>,
    } else {
    }
    %get3A_7 = arith.index_cast %arg0 : i32 to index
    %get3A_8 = memref.load %arg3[%get3A_7] : memref<128xi32, #tpu.memory_space<smem>>
    %eq3A_9 = arith.constant 1 : i32
    %eq3A_10 = arith.cmpi eq, %get3A_8, %eq3A_9 : i32
    %convert_element_type3A_11 = arith.extui %eq3A_10 : i1 to i32
    %cond3A_12 = arith.constant 0 : i32
    %cond3A_13 = arith.cmpi ne, %convert_element_type3A_11, %cond3A_12 : i32
    scf.if %cond3A_13 {
      %get3A_14 = arith.index_cast %arg0 : i32 to index
      %get3A_15 = memref.load %arg2[%get3A_14] : memref<128xi32, #tpu.memory_space<smem>>
      %get3A_16 = arith.constant 0 : index
      %get3A_17 = arith.constant 0 : index
      %get3A_18 = vector.load %arg5[%get3A_16, %get3A_17] : memref<128x768xf32, #tpu.memory_space<vmem>>, vector<128x768xf32>
      %get3A_19 = arith.constant 0 : index
      %get3A_20 = arith.constant 0 : index
      %get3A_21 = arith.constant 0 : index
      %get3A_22 = vector.load %arg6[%get3A_19, %get3A_20, %get3A_21] : memref<1x768x1024xf32, #tpu.memory_space<vmem>>, vector<1x768x1024xf32>
      %get3A_23 = vector.shape_cast %get3A_22 : vector<1x768x1024xf32> to vector<768x1024xf32>
      %dot_general3A = arith.constant dense<0.000000e+00> : vector<128x1024xf32>
      %dot_general3A_24 = tpu.matmul %get3A_18, %get3A_23, %dot_general3A {dimension_numbers = #tpu.dot_dimension_numbers<[1], [0], [0], [1], [0, 0, 1, 1], [], []>, transpose_lhs_hint = false} : vector<128x768xf32>, vector<768x1024xf32>, vector<128x1024xf32> -> vector<128x1024xf32>
      %get3A_25 = arith.constant 0 : index
      %get3A_26 = arith.constant 0 : index
      %get3A_27 = arith.constant 0 : index
      %get3A_28 = vector.load %arg7[%get3A_25, %get3A_26, %get3A_27] : memref<1x1x1024xf32, #tpu.memory_space<vmem>>, vector<1x1x1024xf32>
      %get3A_29 = vector.shape_cast %get3A_28 : vector<1x1x1024xf32> to vector<1x1024xf32>
      %add3A = vector.broadcast %get3A_29 : vector<1x1024xf32> to vector<128x1024xf32>
      %add3A_30 = arith.addf %dot_general3A_24, %add3A : vector<128x1024xf32>
      %neg3A = arith.constant 0.000000e+00 : f32
      %neg3A_31 = vector.broadcast %neg3A : f32 to vector<128x1024xf32>
      %neg3A_32 = arith.subf %neg3A_31, %add3A_30 : vector<128x1024xf32>
      %exp3A = math.exp %neg3A_32 : vector<128x1024xf32>
      %add3A_33 = arith.constant 1.000000e+00 : f32
      %add3A_34 = vector.broadcast %add3A_33 : f32 to vector<128x1024xf32>
      %add3A_35 = arith.addf %add3A_34, %exp3A : vector<128x1024xf32>
      %div3A = arith.constant 1.000000e+00 : f32
      %div3A_36 = vector.broadcast %div3A : f32 to vector<128x1024xf32>
      %div3A_37 = arith.divf %div3A_36, %add3A_35 : vector<128x1024xf32>
      %mul3A = arith.mulf %add3A_30, %div3A_37 : vector<128x1024xf32>
      %get3A_38 = arith.constant 0 : index
      %get3A_39 = arith.constant 0 : index
      %get3A_40 = arith.constant 0 : index
      %get3A_41 = vector.load %arg8[%get3A_38, %get3A_39, %get3A_40] : memref<1x1024x768xf32, #tpu.memory_space<vmem>>, vector<1x1024x768xf32>
      %get3A_42 = vector.shape_cast %get3A_41 : vector<1x1024x768xf32> to vector<1024x768xf32>
      %dot_general3A_43 = arith.constant dense<0.000000e+00> : vector<128x768xf32>
      %dot_general3A_44 = tpu.matmul %mul3A, %get3A_42, %dot_general3A_43 {dimension_numbers = #tpu.dot_dimension_numbers<[1], [0], [0], [1], [0, 0, 1, 1], [], []>, transpose_lhs_hint = false} : vector<128x1024xf32>, vector<1024x768xf32>, vector<128x768xf32> -> vector<128x768xf32>
      %get3A_45 = arith.constant 0 : index
      %get3A_46 = arith.constant 0 : index
      %get3A_47 = arith.constant 0 : index
      %get3A_48 = vector.load %arg9[%get3A_45, %get3A_46, %get3A_47] : memref<1x1x768xf32, #tpu.memory_space<vmem>>, vector<1x1x768xf32>
      %get3A_49 = vector.shape_cast %get3A_48 : vector<1x1x768xf32> to vector<1x768xf32>
      %add3A_50 = vector.broadcast %get3A_49 : vector<1x768xf32> to vector<128x768xf32>
      %add3A_51 = arith.addf %dot_general3A_44, %add3A_50 : vector<128x768xf32>
      %mul3A_52 = arith.constant 128 : i32
      %mul3A_53 = arith.muli %get3A_0, %mul3A_52 : i32
      %iota3A = tpu.iota {dimensions = array<i32: 0>} : vector<128x768xi32>
      %add3A_54 = vector.broadcast %mul3A_53 : i32 to vector<128x768xi32>
      %add3A_55 = arith.addi %add3A_54, %iota3A : vector<128x768xi32>
      %get3A_56 = arith.index_cast %get3A_15 : i32 to index
      %get3A_57 = memref.load %arg4[%get3A_56] : memref<128xi32, #tpu.memory_space<smem>>
      %add3A_58 = arith.constant 1 : i32
      %add3A_59 = arith.addi %get3A_15, %add3A_58 : i32
      %get3A_60 = arith.index_cast %add3A_59 : i32 to index
      %get3A_61 = memref.load %arg4[%get3A_60] : memref<128xi32, #tpu.memory_space<smem>>
      %ge3A = vector.broadcast %get3A_57 : i32 to vector<128x768xi32>
      %ge3A_62 = arith.cmpi sge, %add3A_55, %ge3A : vector<128x768xi32>
      %lt3A = vector.broadcast %get3A_61 : i32 to vector<128x768xi32>
      %lt3A_63 = arith.cmpi slt, %add3A_55, %lt3A : vector<128x768xi32>
      %and3A = arith.andi %ge3A_62, %lt3A_63 : vector<128x768xi1>
      %get3A_64 = arith.constant 0 : index
      %get3A_65 = arith.constant 0 : index
      %get3A_66 = vector.load %arg10[%get3A_64, %get3A_65] : memref<128x768xf32, #tpu.memory_space<vmem>>, vector<128x768xf32>
      %jit3A = arith.constant 0.000000e+00 : f32
      %broadcast_in_dim3A = vector.broadcast %jit3A : f32 to vector<128x768xf32>
      %select_n3A = arith.select %and3A, %add3A_51, %broadcast_in_dim3A : vector<128x768xi1>, vector<128x768xf32>
      %add3A_67 = arith.addf %get3A_66, %select_n3A : vector<128x768xf32>
      %swap3A = arith.constant 0 : index
      %swap3A_68 = arith.constant 0 : index
      %swap3A_69 = vector.load %arg10[%swap3A, %swap3A_68] : memref<128x768xf32, #tpu.memory_space<vmem>>, vector<128x768xf32>
      tpu.vector_store %arg10[%swap3A, %swap3A_68], %add3A_67 {strides = array<i32>} : memref<128x768xf32, #tpu.memory_space<vmem>>, vector<128x768xf32>,
    } else {
    }
    return
  }
  func.func @transform_0(%arg0: i32, %arg1: memref<128xi32, #tpu.memory_space<smem>>, %arg2: memref<128xi32, #tpu.memory_space<smem>>, %arg3: memref<128xi32, #tpu.memory_space<smem>>, %arg4: memref<128xi32, #tpu.memory_space<smem>>) -> (i32, i32) {
    %get3A = arith.index_cast %arg0 : i32 to index
    %get3A_0 = memref.load %arg1[%get3A] : memref<128xi32, #tpu.memory_space<smem>>
    %c0_i32 = arith.constant 0 : i32
    %c0_i32_1 = arith.constant 0 : i32
    return %get3A_0, %c0_i32 : i32, i32
  }
  func.func @transform_1(%arg0: i32, %arg1: memref<128xi32, #tpu.memory_space<smem>>, %arg2: memref<128xi32, #tpu.memory_space<smem>>, %arg3: memref<128xi32, #tpu.memory_space<smem>>, %arg4: memref<128xi32, #tpu.memory_space<smem>>) -> (i32, i32, i32) {
    %get3A = arith.index_cast %arg0 : i32 to index
    %get3A_0 = memref.load %arg2[%get3A] : memref<128xi32, #tpu.memory_space<smem>>
    %c0_i32 = arith.constant 0 : i32
    %c0_i32_1 = arith.constant 0 : i32
    %c0_i32_2 = arith.constant 0 : i32
    return %get3A_0, %c0_i32, %c0_i32_1 : i32, i32, i32
  }
  func.func @transform_2(%arg0: i32, %arg1: memref<128xi32, #tpu.memory_space<smem>>, %arg2: memref<128xi32, #tpu.memory_space<smem>>, %arg3: memref<128xi32, #tpu.memory_space<smem>>, %arg4: memref<128xi32, #tpu.memory_space<smem>>) -> (i32, i32, i32) {
    %get3A = arith.index_cast %arg0 : i32 to index
    %get3A_0 = memref.load %arg2[%get3A] : memref<128xi32, #tpu.memory_space<smem>>
    %c0_i32 = arith.constant 0 : i32
    %c0_i32_1 = arith.constant 0 : i32
    %c0_i32_2 = arith.constant 0 : i32
    return %get3A_0, %c0_i32, %c0_i32_1 : i32, i32, i32
  }
  func.func @transform_3(%arg0: i32, %arg1: memref<128xi32, #tpu.memory_space<smem>>, %arg2: memref<128xi32, #tpu.memory_space<smem>>, %arg3: memref<128xi32, #tpu.memory_space<smem>>, %arg4: memref<128xi32, #tpu.memory_space<smem>>) -> (i32, i32, i32) {
    %get3A = arith.index_cast %arg0 : i32 to index
    %get3A_0 = memref.load %arg2[%get3A] : memref<128xi32, #tpu.memory_space<smem>>
    %c0_i32 = arith.constant 0 : i32
    %c0_i32_1 = arith.constant 0 : i32
    %c0_i32_2 = arith.constant 0 : i32
    return %get3A_0, %c0_i32, %c0_i32_1 : i32, i32, i32
  }
  func.func @transform_4(%arg0: i32, %arg1: memref<128xi32, #tpu.memory_space<smem>>, %arg2: memref<128xi32, #tpu.memory_space<smem>>, %arg3: memref<128xi32, #tpu.memory_space<smem>>, %arg4: memref<128xi32, #tpu.memory_space<smem>>) -> (i32, i32, i32) {
    %get3A = arith.index_cast %arg0 : i32 to index
    %get3A_0 = memref.load %arg2[%get3A] : memref<128xi32, #tpu.memory_space<smem>>
    %c0_i32 = arith.constant 0 : i32
    %c0_i32_1 = arith.constant 0 : i32
    %c0_i32_2 = arith.constant 0 : i32
    return %get3A_0, %c0_i32, %c0_i32_1 : i32, i32, i32
  }
  func.func @transform_5(%arg0: i32, %arg1: memref<128xi32, #tpu.memory_space<smem>>, %arg2: memref<128xi32, #tpu.memory_space<smem>>, %arg3: memref<128xi32, #tpu.memory_space<smem>>, %arg4: memref<128xi32, #tpu.memory_space<smem>>) -> (i32, i32) {
    %get3A = arith.index_cast %arg0 : i32 to index
    %get3A_0 = memref.load %arg1[%get3A] : memref<128xi32, #tpu.memory_space<smem>>
    %c0_i32 = arith.constant 0 : i32
    %c0_i32_1 = arith.constant 0 : i32
    return %get3A_0, %c0_i32 : i32, i32
  }
}

</mosaic_0001>

<sc_bundles>
// kernel: kernel.6.cloned.1.call-start
scs
__scs_entry_jumppad:
0x0: {  	(pc) =	sbr.rel $0x88, $3  }
0x1: {  	(tag) =	ssettag $0x0;
	lr =	simm.s32 $0x1  }
0x2: {  	[smem:$0x3F9A] =	sst lr;
	_ =	strace $0xD0000000  }
0x3: {  	_ = 	snop  }
0x4: {  	_ = 	snop  }
0x5: {  	_ = 	snop  }
0x6: {  	_ = 	snop  }
0x7: {  	_ = 	snop  }
__scs_overlays_trampoline_lowered:
0x8: {  	[smem:$0x3FA9] =	sst s0  }
0x9: {  	[smem:$0x3FAA] =	sst s1  }
0xa: {  	[smem:$0x3FAB] =	sst s2  }
0xb: {  	[smem:$0x3FAC] =	sst s3  }
0xc: {  	[smem:$0x3FAD] =	sst s4  }
0xd: {  	[smem:$0x3FAE] =	sst s5  }
0xe: {  	[smem:$0x3FAF] =	sst s6  }
0xf: {  	[smem:$0x3FB0] =	sst s7  }
0x10: {  	[smem:$0x3FB1] =	sst s8  }
0x11: {  	[smem:$0x3FB2] =	sst s9;
	s0 =	simm.s32 @!p0 $0x0  }
0x12: {  	s1 =	sld [smem:$0x3F98];
	s0 =	simm.s32 @p0 $0x1  }
0x13: {  	[smem:$0x3FB3] =	sst s0;
	s0 =	simm.s32 @!p1 $0x0  }
0x14: {  	s2 =	sld [smem:$0x3F97];
	s0 =	simm.s32 @p1 $0x1  }
0x15: {  	[smem:$0x3FB4] =	sst s0;
	s0 =	simm.s32 @!p2 $0x0  }
0x16: {  	s3 =	sld [smem:$0x3FDB];
	s0 =	simm.s32 @p2 $0x1  }
0x17: {  	s4 =	simm.s32 $0x1BF5;
	[smem:$0x3FB6] =	sst s0  }
0x18: {  	s0 =	sld [smem:$0x3F99];
	_ =	swait.ge [sflag:s4], $0x0  }
0x19: {  	s7 =	sld [smem:$0x3F9A]  }
0x1a: {  	s8 =	sadd.s32 $0xFFFFE003, lr  }
0x1b: {  	s9 =	sadd.s32 $0xFFFFFEF7, lr;
	s5 =	simm.s32 $0xFFFFFFFF;
	p2 =	slt.u32 s8, $0xFFFFF086  }
0x1c: {  	p1 =	slt.u32 s9, $0xF7A;
	s5 =	simm.s32 @!p2 $0x0  }
0x1d: {  	s5 =	simm.s32 @p1 $0x1;
	p0 =	seq.s32 s7, s2  }
0x1e: {  	s7 =	smul.u32 @!p0 $0xF7A, s2;
	p2 =	seq.s32 @!p0 s5, $0x0  }
0x1f: {  	s9 =	smul.u32 $0xF7A, s1;
	s8 =	simm.s32 @!p0 $0x1BF5;
	p2 =	por !p2, p0  }
0x20: {  	[sflag:s8] =	ssyncset.s32 @!p0 $0xFFFFF086;
	s6 =	sadd.s32 @!p0 s3, s7;
	s7 =	simm.s32 @!p0 $0x108  }
0x21: {  	s3 =	sadd.s32 s3, s9;
	s6 =	sadd.s32 @!p0 $0x88, s6;
	s7 =	simm.s32 @p2 $0x1082  }
0x22: {  	[simem:s7], [sflag:s8] =	dma.local @!p0 [hbm:s6], $0xF7A  }
0x23: {  	s9 =	sor.u32 $0xD0000000, s2;
	s6 =	simm.s32 $0x108;
	_ =	swait.ge @!p0 [sflag:s8], $0x0  }
0x24: {  	s3 =	sadd.s32 $0x88, s3;
	s6 =	simm.s32 @!p1 $0x1082;
	[sflag:s4] =	ssyncset.s32 $0xFFFFF086  }
0x25: {  	[simem:s6], [sflag:s4] =	dma.local [hbm:s3], $0xF7A  }
0x26: {  	[smem:$0x3F9A] =	sst s1;
	(tag) =	ssettag s2;
	_ =	strace s9  }
0x27: {  	s1 =	sld [smem:$0x3FAA]  }
0x28: {  	s2 =	sld [smem:$0x3FAB]  }
0x29: {  	s4 =	sld [smem:$0x3FAD]  }
0x2a: {  	p0 =	seq.s32 s5, $0x0;
	s5 =	sld [smem:$0x3FAE]  }
0x2b: {  	s6 =	sld [smem:$0x3FAF]  }
0x2c: {  	s7 =	sld [smem:$0x3FB0]  }
0x2d: {  	s3 =	simm.s32 $0x108;
	s8 =	sld [smem:$0x3FB1]  }
0x2e: {  	s3 =	simm.s32 @!p0 $0x1082;
	s9 =	sld [smem:$0x3FB2]  }
0x2f: {  	lr =	sadd.s32 s0, s3;
	s0 =	sld [smem:$0x3FA9]  }
0x30: {  	s3 =	sld [smem:$0x3FAC]  }
0x31: {  	[smem:$0x3FB5] =	sst s10  }
0x32: {  	s10 =	sld [smem:$0x3FB3];
	_ =	sdelay $0x3  }
0x33: {  	p0 =	seq.s32 s10, $0x1;
	s10 =	sld [smem:$0x3FB5];
	_ =	sdelay $0x3  }
0x34: {  	[smem:$0x3FB5] =	sst s10  }
0x35: {  	s10 =	sld [smem:$0x3FB4];
	_ =	sdelay $0x3  }
0x36: {  	p1 =	seq.s32 s10, $0x1;
	s10 =	sld [smem:$0x3FB5];
	_ =	sdelay $0x3  }
0x37: {  	[smem:$0x3FB5] =	sst s10  }
0x38: {  	s10 =	sld [smem:$0x3FB6]  }
0x39: {  	_ = 	snop;
	(pc) =	sbr.ind lr, $3  }
0x3a: {  	_ = 	snop  }
0x3b: {  	_ = 	snop  }
0x3c: {  	p2 =	seq.s32 s10, $0x1;
	s10 =	sld [smem:$0x3FB5]  }
0x3d: {  	_ =	shalt  }
0x3e: {  	_ =	shalt  }
0x3f: {  	_ =	shalt  }
0x40: {  	_ =	shalt  }
0x41: {  	_ =	shalt  }
0x42: {  	_ =	shalt  }
0x43: {  	_ =	shalt  }
0x44: {  	_ =	shalt  }
0x45: {  	_ =	shalt  }
0x46: {  	_ =	shalt  }
0x47: {  	_ =	shalt  }
0x48: {  	_ =	shalt  }
0x49: {  	_ =	shalt  }
0x4a: {  	_ =	shalt  }
0x4b: {  	_ =	shalt  }
0x4c: {  	_ =	shalt  }
0x4d: {  	_ =	shalt  }
0x4e: {  	_ =	shalt  }
0x4f: {  	_ =	shalt  }
0x50: {  	_ =	shalt  }
0x51: {  	_ =	shalt  }
0x52: {  	_ =	shalt  }
0x53: {  	_ =	shalt  }
0x54: {  	_ =	shalt  }
0x55: {  	_ =	shalt  }
0x56: {  	_ =	shalt  }
0x57: {  	_ =	shalt  }
0x58: {  	_ =	shalt  }
0x59: {  	_ =	shalt  }
0x5a: {  	_ =	shalt  }
0x5b: {  	_ =	shalt  }
0x5c: {  	_ =	shalt  }
0x5d: {  	_ =	shalt  }
0x5e: {  	_ =	shalt  }
0x5f: {  	_ =	shalt  }
0x60: {  	_ =	shalt  }
0x61: {  	_ =	shalt  }
0x62: {  	_ =	shalt  }
0x63: {  	_ =	shalt  }
0x64: {  	_ =	shalt  }
0x65: {  	_ =	shalt  }
0x66: {  	_ =	shalt  }
0x67: {  	_ =	shalt  }
0x68: {  	_ =	shalt  }
0x69: {  	_ =	shalt  }
0x6a: {  	_ =	shalt  }
0x6b: {  	_ =	shalt  }
0x6c: {  	_ =	shalt  }
0x6d: {  	_ =	shalt  }
0x6e: {  	_ =	shalt  }
0x6f: {  	_ =	shalt  }
0x70: {  	_ =	shalt  }
0x71: {  	_ =	shalt  }
0x72: {  	_ =	shalt  }
0x73: {  	_ =	shalt  }
0x74: {  	_ =	shalt  }
0x75: {  	_ =	shalt  }
0x76: {  	_ =	shalt  }
0x77: {  	_ =	shalt  }
0x78: {  	_ =	shalt  }
0x79: {  	_ =	shalt  }
0x7a: {  	_ =	shalt  }
0x7b: {  	_ =	shalt  }
0x7c: {  	_ =	shalt  }
0x7d: {  	_ =	shalt  }
0x7e: {  	_ =	shalt  }
0x7f: {  	_ =	shalt  }
0x80: {  	_ =	shalt  }
0x81: {  	_ =	shalt  }
0x82: {  	_ =	shalt  }
0x83: {  	_ =	shalt  }
0x84: {  	_ =	shalt  }
0x85: {  	_ =	shalt  }
0x86: {  	_ =	shalt  }
0x87: {  	_ =	shalt  }
.Lfunc_end0:
.L_simem_size_0:
called_computation_lowered:
.L_overlay_start_0:
0x88: {  	s2 =	sld [smem:$0x3FD9]  }
0x89: {  	s3 =	sld [smem:$0x3FFE];
	_ =	sdelay $0x1  }
0x8a: {  	s1 =	srdreg.scid  }
0x8b: {  	s0 =	sand.u32 $0x1, s1  }
0x8c: {  	s17 =	sshll.u32 s0, $0xA;
	s2 =	sadd.s32 s3, s2  }
0x8d: {  	s2 =	sadd.s32 s2, s17  }
0x8e: {  	[smem:$0x3FC1] =	sst s2  }
0x8f: {  	_ = 	snop  }
0x90: {  	s2 =	sld [smem:$0x3FC9]  }
0x91: {  	s18 =	sld [smem:$0x3FD0];
	(tm) =	ssettm $0x1  }
0x92: {  	s4 =	sld [smem:$0x3FFB];
	_ =	sdelay $0x3  }
0x93: {  	_ =	strace s4  }
0x94: {  	s4 =	sld [smem:$0x3FFC];
	_ =	sdelay $0x3  }
0x95: {  	_ =	strace s4  }
0x96: {  	s4 =	sld [smem:$0x3FFD];
	_ =	sdelay $0x3  }
0x97: {  	_ =	strace s4  }
0x98: {  	_ =	strace $0x8FFFFFFF  }
0x99: {  	s19 =	sld [smem:$0x3FDB];
	_ =	sdelay $0x1  }
0x9a: {  	s5 =	simm.s32 $_scs_section_size  }
0x9b: {  	s6 =	simm.s32 $_size__tile_overlayer_lowered;
	s7 =	simm.s32 $_tile_overlayer_lowered  }
0x9c: {  	s22 =	simm.s32 $0x1BFF;
	s21 =	sshll.u32 s7, $0x1;
	s4 =	sadd.s32 s5, s19  }
0x9d: {  	s8 =	simm.s32 $0x0;
	s20 =	sshll.u32 s6, $0x1;
	s6 =	sadd.s32 s21, s4  }
0x9e: {  	[timem:s8], [sflag:s22] =	dma.local [hbm:s6], s20  }
0x9f: {  	_ =	swait.ge [sflag:s22], s20  }
0xa0: {  	s5 =	ssub.s32 $0x0, s20;
	[sflag:s22] =	ssyncset.done $0x0  }
0xa1: {  	[sflag:s22] =	ssyncadd.s32 s5;
	_ =	sdelay $0x1  }
0xa2: {  	s23 =	simm.s32 $0x1B8B  }
0xa3: {  	_ =	swait.ge [sflag:s23], $0x1  }
0xa4: {  	[sflag:s23] =	ssyncset.done $0x0  }
0xa5: {  	s25 =	simm.s32 $0x1B8E;
	s24 =	sld [smem:$0x3FFE];
	[sflag:s23] =	ssyncadd.s32 $0xFFFFFFFF  }
0xa6: {  	s26 =	simm.s32 $execute0_lowered;
	[smem:$0x3FD2] =	sst s25  }
0xa7: {  	s6 =	sshll.u32 s26, $0x1;
	_ =	strace $0x80000046;
	[dreg:$0x1] =	wrdreg $0xFFFFFFFF  }
0xa8: {  	s28 =	simm.s32 $_size_execute0_lowered;
	s4 =	sadd.s32 s4, s6;
	[dreg:$0x0] =	wrdreg $0x0  }
0xa9: {  	s6 =	sshll.u32 s28, $0x1;
	[dreg:$0x2] =	wrdreg s4  }
0xaa: {  	[dreg:$0x3] =	wrdreg s6  }
0xab: {  	[dreg:$0x4] =	wrdreg $0xC0  }
0xac: {  	_ =	task [dreg:s8], $0x5FFFF  }
0xad: {  	[dreg:$0x1] =	wrdreg $0xFFFFFFFF  }
0xae: {  	[dreg:$0x0] =	wrdreg $0x60  }
0xaf: {  	[dreg:$0x2] =	wrdreg s2  }
0xb0: {  	[dreg:$0x3] =	wrdreg s24  }
0xb1: {  	[dreg:$0x4] =	wrdreg s18  }
0xb2: {  	[dreg:$0x5] =	wrdreg $0x9  }
0xb3: {  	_ =	task.clear_ibuf [dreg:s8], $0x6FFFF;
	_ =	strace $0x90000046  }
0xb4: {  	s29 =	simm.s32 $0x9;
	_ =	strace $0x80000048  }
0xb5: {  	_ =	swait.ge [sflag:s29], $0x1  }
0xb6: {  	[sflag:s29] =	ssyncadd.s32 $0xFFFFFFFF  }
0xb7: {  	_ =	strace $0x90000048  }
0xb8: {  	_ =	sfence  }
0xb9: {  	s30 =	sld [smem:$0x0];
	_ =	sdelay $0x2  }
0xba: {  	s31 =	sshll.u32 s1, $0xD;
	s1 =	sshrl.u32 s1, $0x2  }
0xbb: {  	s3 =	sand.u32 $0x4000, s31;
	s1 =	sadd.s32 s1, s30  }
0xbc: {  	s0 =	sor.u32 s3, s0;
	s1 =	sshll.u32 s1, $0x11  }
0xbd: {  	s0 =	sor.u32 s1, s0  }
0xbe: {  	s0 =	sadd.s32 $0x8F2B, s0  }
0xbf: {  	[sflag:s0] =	ssyncadd.remote.s32 $0x1  }
0xc0: {  	_ =	sfence.sel $0xFFFF  }
0xc1: {  	[dreg:$0x0] =	wrdreg $0xFFFFFFFF;
	(pc) =	sbr.abs _section_cstart, $3  }
0xc2: {  	[dreg:$0x1] =	wrdreg $0xFFFFFFFF  }
0xc3: {  	_ =	task.clear_ibuf [dreg:s8], $0x2FFFF;
	_ =	strace $0x9FFFFFFF  }
0xc4: {  	(tm) =	ssettm $0x7FFFFFFF  }
0xc5: {  	_ =	shalt  }
tec
execute0_lowered:
.L_overlay_start_1:
0x0: {  	(tag) =	ssettag $0x1  }
0x1: {  	s0 =	rddreg [dreg:$0x0]  }
0x2: {  	s4 =	rddreg [dreg:$0x1];
	s3 =	srdreg.scid  }
0x3: {  	s2 =	rddreg [dreg:$0x2];
	s5 =	sand.u32 $0x1, s3;
	s3 =	simm.s32 $0x0  }
0x4: {  	s16 =	sadd.s32 $0x2600, s4;
	[smem:$0x7FF] =	sst s3  }
0x5: {  	s20 =	simm.s32 $0x80;
	_ =	strace $0x80000047;
	[dreg:$0x4] =	wrdreg s16  }
0x6: {  	s21 =	simm.s32 $0xA00;
	[dreg:$0x9] =	wrdreg s20  }
0x7: {  	s22 =	simm.s32 $0x1200;
	[dreg:$0xa] =	wrdreg s21  }
0x8: {  	s23 =	simm.s32 $0x1A00;
	[dreg:$0xb] =	wrdreg s22  }
0x9: {  	s24 =	simm.s32 $0x2200;
	[dreg:$0xc] =	wrdreg s23  }
0xa: {  	s25 =	simm.s32 $0x2A00;
	[dreg:$0xd] =	wrdreg s24  }
0xb: {  	s1 =	stileid.u32;
	s26 =	simm.s32 $0x3200;
	[dreg:$0xe] =	wrdreg s25  }
0xc: {  	s6 =	sshll.u32 s1, $0x5;
	s1 =	simm.s32 $0x3A00;
	[dreg:$0xf] =	wrdreg s26  }
0xd: {  	s8 =	simm.s32 $0x5A00;
	[dreg:$0x10] =	wrdreg s1  }
0xe: {  	s9 =	simm.s32 $0x6200;
	s10 =	simm.s32 $0x6A00;
	[dreg:$0x14] =	wrdreg s8  }
0xf: {  	s11 =	simm.s32 $0x7200;
	s12 =	simm.s32 $0x7A00;
	[dreg:$0x15] =	wrdreg s9  }
0x10: {  	s13 =	simm.s32 $0x8200;
	s14 =	simm.s32 $0x8A00;
	[dreg:$0x16] =	wrdreg s10  }
0x11: {  	s15 =	simm.s32 $0x9200;
	s28 =	simm.s32 $0x16A00;
	[dreg:$0x17] =	wrdreg s11  }
0x12: {  	s29 =	simm.s32 $0x17200;
	s30 =	simm.s32 $0x17A00;
	[dreg:$0x18] =	wrdreg s12  }
0x13: {  	s31 =	simm.s32 $0x1;
	s7 =	sshll.u32 s5, $0x4;
	[dreg:$0x19] =	wrdreg s13  }
0x14: {  	s6 =	sor.u32 s7, s6;
	s7 =	simm.s32 $0x5200;
	[dreg:$0x1a] =	wrdreg s14  }
0x15: {  	[dreg:$0x1b] =	wrdreg s15;
	s16 =	simm.s32 $0x9A00;
	s21 =	simm.s32 $0xB200  }
0x16: {  	s22 =	simm.s32 $0xBA00;
	s23 =	simm.s32 $0xC200;
	[dreg:$0x13] =	wrdreg s7  }
0x17: {  	s24 =	simm.s32 $0xCA00;
	s25 =	simm.s32 $0xD200;
	[dreg:$0x1c] =	wrdreg s16  }
0x18: {  	s8 =	simm.s32 $0x100;
	s26 =	simm.s32 $0xDA00;
	[dreg:$0x1f] =	wrdreg s21  }
0x19: {  	s9 =	simm.s32 $0x200;
	s11 =	simm.s32 $0xEA00;
	[smem:$0x7F9] =	sst s22  }
0x1a: {  	s12 =	simm.s32 $0xF200;
	s13 =	simm.s32 $0xFA00;
	[smem:$0x7FA] =	sst s23  }
0x1b: {  	s14 =	simm.s32 $0x10200;
	s15 =	simm.s32 $0x10A00;
	[smem:$0x7FB] =	sst s24  }
0x1c: {  	s4 =	sadd.s32 s6, s4;
	s6 =	smul.u32 $0x300, s6;
	[smem:$0x7FC] =	sst s25  }
0x1d: {  	s7 =	simm.s32 $0x2;
	[smem:$0x7FD] =	sst s26;
	s16 =	simm.s32 $0x11200  }
0x1e: {  	s21 =	simm.s32 $0x13A00;
	s22 =	simm.s32 $0x14200;
	s17 =	sadd.s32 $0x2200, s4  }
0x1f: {  	s23 =	simm.s32 $0x14A00;
	s18 =	sadd.s32 $0x2400, s4;
	[dreg:$0x5] =	wrdreg s17  }
0x20: {  	s24 =	simm.s32 $0x15200;
	s19 =	sadd.s32 $0x2A00, s4;
	[dreg:$0x6] =	wrdreg s18  }
0x21: {  	s25 =	simm.s32 $0x15A00;
	s4 =	simm.s32 $0x4200;
	[dreg:$0x8] =	wrdreg s19  }
0x22: {  	s26 =	simm.s32 $0x16200;
	s0 =	sadd.s32 s0, s6;
	[dreg:$0x11] =	wrdreg s4  }
0x23: {  	s6 =	simm.s32 $0x4A00;
	s17 =	ssub.s32 $0x2, s5;
	[dreg:$0x7] =	wrdreg s0  }
0x24: {  	s18 =	simm.s32 $0xA200;
	s19 =	simm.s32 $0xAA00;
	[dreg:$0x12] =	wrdreg s6  }
0x25: {  	s4 =	sadd.s32 $0x100, s2;
	s5 =	sshrl.u32 s17, $0x1;
	[dreg:$0x1d] =	wrdreg s18  }
0x26: {  	v2 =	vlaneseq.u32;
	[dreg:$0x1e] =	wrdreg s19;
	s18 =	simm.s32 $0x12200;
	s19 =	simm.s32 $0x12A00  }
0x27: {  	vm0 =	vmmov $0xffff;
	v1 =	vshrl.u32 v2, $0x3;
	s0 =	simm.s32 $0x180;
	s20 =	ssub.s32 s17, s5;
	s5 =	sadd.s32 $0x200, s2  }
0x28: {  	v0 =	vand.u32 $0x7, v2;
	v2 =	vor.u32 $0x8, v2;
	v1 =	vmul.u32 $0x8, v1;
	s17 =	simm.s32 $0x11A00;
	s6 =	smax.u32 s20, $0x1;
	s20 =	simm.s32 $0x13200  }
.LBB2_1:
0x29: {  	s1 =	rddreg [dreg:$0x5]  }
0x2a: {  	[tilespmem:s3], [sflag:$0x2] =	stream.linear.gather [hbm4b:s1+s3], $0x80, $0x38;
	[tilespmem:$0x18200] =	vst v63  }
0x2b: {  	_ =	swait.ge [sflag:s7], $0x80  }
0x2c: {  	s1 =	rddreg [dreg:$0x6];
	[sflag:s7] =	ssyncset.done $0x0  }
0x2d: {  	s10 =	rddreg [dreg:$0x9];
	[sflag:s7] =	ssyncadd.s32 $0xFFFFFF80  }
0x2e: {  	[tilespmem:s10], [sflag:$0x2] =	stream.linear.gather [hbm4b:s1+s3], $0x80, $0x38;
	[tilespmem:$0x18200] =	vst v63  }
0x2f: {  	_ =	swait.ge [sflag:s7], $0x80  }
0x30: {  	[sflag:s7] =	ssyncset.done $0x0  }
0x31: {  	s10 =	rddreg [dreg:$0x4];
	[sflag:s7] =	ssyncadd.s32 $0xFFFFFF80  }
0x32: {  	[tilespmem:s8], [sflag:$0x2] =	stream.linear.gather [hbm4b:s10+s3], $0x80, $0x38;
	[tilespmem:$0x18200] =	vst v63  }
0x33: {  	_ =	swait.ge [sflag:s7], $0x80  }
0x34: {  	[sflag:s7] =	ssyncset.done $0x0  }
0x35: {  	[sflag:s7] =	ssyncadd.s32 $0xFFFFFF80  }
0x36: {  	v3 =	vld [tilespmem:$0x0];
	_ =	sdelay $0x5  }
0x37: {  	v4 =	vld [tilespmem:$0x10]  }
0x38: {  	v5 =	vld [tilespmem:$0x80]  }
0x39: {  	v3 =	vld.idx.msk [tilespmem:v3+s8+$0x0], $0xffff;
	_ =	sdelay $0x4  }
0x3a: {  	v43 =	vld [tilespmem:$0x20];
	v3 =	vadd.s32 v3, v5  }
0x3b: {  	v44 =	vld [tilespmem:$0x90];
	[tilespmem:$0x180] =	vst v3  }
0x3c: {  	v3 =	vld.idx.msk [tilespmem:v4+s8+$0x0], $0xffff;
	_ =	sdelay $0x4  }
0x3d: {  	v45 =	vld [tilespmem:$0x30];
	v3 =	vadd.s32 v3, v44  }
0x3e: {  	v46 =	vld [tilespmem:$0xA0];
	[tilespmem:$0x190] =	vst v3  }
0x3f: {  	v3 =	vld.idx.msk [tilespmem:v43+s8+$0x0], $0xffff;
	_ =	sdelay $0x4  }
0x40: {  	v47 =	vld [tilespmem:$0x40];
	v3 =	vadd.s32 v3, v46  }
0x41: {  	v48 =	vld [tilespmem:$0xB0];
	[tilespmem:$0x1A0] =	vst v3  }
0x42: {  	v3 =	vld.idx.msk [tilespmem:v45+s8+$0x0], $0xffff;
	_ =	sdelay $0x4  }
0x43: {  	v49 =	vld [tilespmem:$0x50];
	v3 =	vadd.s32 v3, v48  }
0x44: {  	v50 =	vld [tilespmem:$0xC0];
	[tilespmem:$0x1B0] =	vst v3  }
0x45: {  	v3 =	vld.idx.msk [tilespmem:v47+s8+$0x0], $0xffff;
	_ =	sdelay $0x4  }
0x46: {  	v51 =	vld [tilespmem:$0x60];
	v3 =	vadd.s32 v3, v50  }
0x47: {  	v52 =	vld [tilespmem:$0xD0];
	[tilespmem:$0x1C0] =	vst v3  }
0x48: {  	v3 =	vld.idx.msk [tilespmem:v49+s8+$0x0], $0xffff;
	_ =	sdelay $0x4  }
0x49: {  	v53 =	vld [tilespmem:$0x70];
	v3 =	vadd.s32 v3, v52  }
0x4a: {  	v54 =	vld [tilespmem:$0xE0];
	[tilespmem:$0x1D0] =	vst v3  }
0x4b: {  	v3 =	vld.idx.msk [tilespmem:v51+s8+$0x0], $0xffff;
	_ =	sdelay $0x4  }
0x4c: {  	v3 =	vadd.s32 v3, v54  }
0x4d: {  	v55 =	vld [tilespmem:$0xF0];
	[tilespmem:$0x1E0] =	vst v3  }
0x4e: {  	v3 =	vld.idx.msk [tilespmem:v53+s8+$0x0], $0xffff;
	_ =	sdelay $0x4  }
0x4f: {  	v3 =	vadd.s32 v3, v55  }
0x50: {  	s10 =	rddreg [dreg:$0x7];
	[tilespmem:$0x1F0] =	vst v3  }
0x51: {  	[tilespmem:s9], [sflag:$0x2] =	stream.linear.gather [hbm4b:s10+s3], $0x18000, $0x38;
	[tilespmem:$0x18200] =	vst v63  }
0x52: {  	_ =	swait.ge [sflag:s7], $0x18000  }
0x53: {  	[sflag:s7] =	ssyncset.done $0x0  }
0x54: {  	[sflag:s7] =	ssyncadd.s32 $0xFFFE8000  }
0x55: {  	v3 =	vld [tilespmem:$0x180];
	_ =	sdelay $0x4  }
0x56: {  	v56 =	vshrl.u32 v3, $0x3  }
0x57: {  	v4 =	vmul.u32 $0x30, v56  }
0x58: {  	v3 =	vand.u32 $0x7, v3  }
0x59: {  	v3 =	vor.u32 v3, v4  }
0x5a: {  	v4 =	vperm.xlane v3, v0;
	_ =	sdelay $0x1  }
0x5b: {  	v4 =	vadd.s32 v1, v4;
	_ =	sdelay $0x3  }
0x5c: {  	v3 =	vperm.xlane v3, v2  }
0x5d: {  	[hbm4b:s2+s3] =	stream.indirect_vreg.scatter [tilespmem:s9], [sflag:$0x1], $0x80, v4, vm0, $0xb8;
	[tilespmem:$0x18200] =	vst v63  }
0x5e: {  	s1 =	rddreg [dreg:$0xa];
	v3 =	vadd.s32 v1, v3  }
0x5f: {  	[hbm4b:s4+s3] =	stream.indirect_vreg.scatter [tilespmem:s1], [sflag:$0x1], $0x80, v4, vm0, $0xb8;
	[tilespmem:$0x18200] =	vst v63  }
0x60: {  	s10 =	rddreg [dreg:$0xb]  }
0x61: {  	[hbm4b:s5+s3] =	stream.indirect_vreg.scatter [tilespmem:s10], [sflag:$0x1], $0x80, v4, vm0, $0xb8;
	[tilespmem:$0x18200] =	vst v63  }
0x62: {  	s1 =	rddreg [dreg:$0xc]  }
0x63: {  	[hbm4b:s2+s3] =	stream.indirect_vreg.scatter [tilespmem:s1], [sflag:$0x1], $0x80, v3, vm0, $0xb8;
	[tilespmem:$0x18200] =	vst v63  }
0x64: {  	s10 =	rddreg [dreg:$0xd]  }
0x65: {  	[hbm4b:s4+s3] =	stream.indirect_vreg.scatter [tilespmem:s10], [sflag:$0x1], $0x80, v3, vm0, $0xb8;
	[tilespmem:$0x18200] =	vst v63  }
0x66: {  	s1 =	rddreg [dreg:$0xe]  }
0x67: {  	[hbm4b:s5+s3] =	stream.indirect_vreg.scatter [tilespmem:s1], [sflag:$0x1], $0x80, v3, vm0, $0xb8;
	[tilespmem:$0x18200] =	vst v63  }
0x68: {  	v3 =	vld [tilespmem:$0x190];
	_ =	sdelay $0x4  }
0x69: {  	v57 =	vshrl.u32 v3, $0x3  }
0x6a: {  	v4 =	vmul.u32 $0x30, v57  }
0x6b: {  	v3 =	vand.u32 $0x7, v3  }
0x6c: {  	v3 =	vor.u32 v3, v4  }
0x6d: {  	v4 =	vperm.xlane v3, v0;
	_ =	sdelay $0x1  }
0x6e: {  	v4 =	vadd.s32 v1, v4;
	_ =	sdelay $0x3  }
0x6f: {  	s1 =	rddreg [dreg:$0xf];
	v3 =	vperm.xlane v3, v2  }
0x70: {  	[hbm4b:s2+s3] =	stream.indirect_vreg.scatter [tilespmem:s1], [sflag:$0x1], $0x80, v4, vm0, $0xb8;
	[tilespmem:$0x18200] =	vst v63  }
0x71: {  	s10 =	rddreg [dreg:$0x10];
	v3 =	vadd.s32 v1, v3  }
0x72: {  	[hbm4b:s4+s3] =	stream.indirect_vreg.scatter [tilespmem:s10], [sflag:$0x1], $0x80, v4, vm0, $0xb8;
	[tilespmem:$0x18200] =	vst v63  }
0x73: {  	s1 =	rddreg [dreg:$0x11]  }
0x74: {  	[hbm4b:s5+s3] =	stream.indirect_vreg.scatter [tilespmem:s1], [sflag:$0x1], $0x80, v4, vm0, $0xb8;
	[tilespmem:$0x18200] =	vst v63  }
0x75: {  	s10 =	rddreg [dreg:$0x12]  }
0x76: {  	[hbm4b:s2+s3] =	stream.indirect_vreg.scatter [tilespmem:s10], [sflag:$0x1], $0x80, v3, vm0, $0xb8;
	[tilespmem:$0x18200] =	vst v63  }
0x77: {  	s1 =	rddreg [dreg:$0x13]  }
0x78: {  	[hbm4b:s4+s3] =	stream.indirect_vreg.scatter [tilespmem:s1], [sflag:$0x1], $0x80, v3, vm0, $0xb8;
	[tilespmem:$0x18200] =	vst v63  }
0x79: {  	s10 =	rddreg [dreg:$0x14]  }
0x7a: {  	[hbm4b:s5+s3] =	stream.indirect_vreg.scatter [tilespmem:s10], [sflag:$0x1], $0x80, v3, vm0, $0xb8;
	[tilespmem:$0x18200] =	vst v63  }
0x7b: {  	v3 =	vld [tilespmem:$0x1A0];
	_ =	sdelay $0x4  }
0x7c: {  	v58 =	vshrl.u32 v3, $0x3  }
0x7d: {  	v4 =	vmul.u32 $0x30, v58  }
0x7e: {  	v3 =	vand.u32 $0x7, v3  }
0x7f: {  	v3 =	vor.u32 v3, v4  }
0x80: {  	v4 =	vperm.xlane v3, v0;
	_ =	sdelay $0x1  }
0x81: {  	v4 =	vadd.s32 v1, v4;
	_ =	sdelay $0x3  }
0x82: {  	s1 =	rddreg [dreg:$0x15];
	v3 =	vperm.xlane v3, v2  }
0x83: {  	[hbm4b:s2+s3] =	stream.indirect_vreg.scatter [tilespmem:s1], [sflag:$0x1], $0x80, v4, vm0, $0xb8;
	[tilespmem:$0x18200] =	vst v63  }
0x84: {  	s10 =	rddreg [dreg:$0x16];
	v3 =	vadd.s32 v1, v3  }
0x85: {  	[hbm4b:s4+s3] =	stream.indirect_vreg.scatter [tilespmem:s10], [sflag:$0x1], $0x80, v4, vm0, $0xb8;
	[tilespmem:$0x18200] =	vst v63  }
0x86: {  	s1 =	rddreg [dreg:$0x17]  }
0x87: {  	[hbm4b:s5+s3] =	stream.indirect_vreg.scatter [tilespmem:s1], [sflag:$0x1], $0x80, v4, vm0, $0xb8;
	[tilespmem:$0x18200] =	vst v63  }
0x88: {  	s10 =	rddreg [dreg:$0x18]  }
0x89: {  	[hbm4b:s2+s3] =	stream.indirect_vreg.scatter [tilespmem:s10], [sflag:$0x1], $0x80, v3, vm0, $0xb8;
	[tilespmem:$0x18200] =	vst v63  }
0x8a: {  	s1 =	rddreg [dreg:$0x19]  }
0x8b: {  	[hbm4b:s4+s3] =	stream.indirect_vreg.scatter [tilespmem:s1], [sflag:$0x1], $0x80, v3, vm0, $0xb8;
	[tilespmem:$0x18200] =	vst v63  }
0x8c: {  	s10 =	rddreg [dreg:$0x1a]  }
0x8d: {  	[hbm4b:s5+s3] =	stream.indirect_vreg.scatter [tilespmem:s10], [sflag:$0x1], $0x80, v3, vm0, $0xb8;
	[tilespmem:$0x18200] =	vst v63  }
0x8e: {  	v3 =	vld [tilespmem:$0x1B0];
	_ =	sdelay $0x4  }
0x8f: {  	v59 =	vshrl.u32 v3, $0x3  }
0x90: {  	v4 =	vmul.u32 $0x30, v59  }
0x91: {  	v3 =	vand.u32 $0x7, v3  }
0x92: {  	v3 =	vor.u32 v3, v4  }
0x93: {  	v4 =	vperm.xlane v3, v0;
	_ =	sdelay $0x1  }
0x94: {  	v4 =	vadd.s32 v1, v4;
	_ =	sdelay $0x2  }
0x95: {  	s1 =	rddreg [dreg:$0x1b]  }
0x96: {  	s10 =	rddreg [dreg:$0x1c];
	v3 =	vperm.xlane v3, v2  }
0x97: {  	[hbm4b:s2+s3] =	stream.indirect_vreg.scatter [tilespmem:s1], [sflag:$0x1], $0x80, v4, vm0, $0xb8;
	[tilespmem:$0x18200] =	vst v63  }
0x98: {  	v3 =	vadd.s32 v1, v3;
	s1 =	rddreg [dreg:$0x1d]  }
0x99: {  	[hbm4b:s4+s3] =	stream.indirect_vreg.scatter [tilespmem:s10], [sflag:$0x1], $0x80, v4, vm0, $0xb8;
	[tilespmem:$0x18200] =	vst v63  }
0x9a: {  	s10 =	rddreg [dreg:$0x1e]  }
0x9b: {  	[hbm4b:s5+s3] =	stream.indirect_vreg.scatter [tilespmem:s1], [sflag:$0x1], $0x80, v4, vm0, $0xb8;
	[tilespmem:$0x18200] =	vst v63  }
0x9c: {  	s1 =	rddreg [dreg:$0x1f]  }
0x9d: {  	[hbm4b:s2+s3] =	stream.indirect_vreg.scatter [tilespmem:s10], [sflag:$0x1], $0x80, v3, vm0, $0xb8;
	[tilespmem:$0x18200] =	vst v63  }
0x9e: {  	s10 =	sld [smem:$0x7F9]  }
0x9f: {  	[hbm4b:s4+s3] =	stream.indirect_vreg.scatter [tilespmem:s1], [sflag:$0x1], $0x80, v3, vm0, $0xb8;
	[tilespmem:$0x18200] =	vst v63  }
0xa0: {  	_ = 	snop  }
0xa1: {  	[hbm4b:s5+s3] =	stream.indirect_vreg.scatter [tilespmem:s10], [sflag:$0x1], $0x80, v3, vm0, $0xb8;
	[tilespmem:$0x18200] =	vst v63  }
0xa2: {  	v3 =	vld [tilespmem:$0x1C0];
	_ =	sdelay $0x4  }
0xa3: {  	v60 =	vshrl.u32 v3, $0x3  }
0xa4: {  	v4 =	vmul.u32 $0x30, v60  }
0xa5: {  	v3 =	vand.u32 $0x7, v3  }
0xa6: {  	v3 =	vor.u32 v3, v4  }
0xa7: {  	v4 =	vperm.xlane v3, v0;
	_ =	sdelay $0x1  }
0xa8: {  	v4 =	vadd.s32 v1, v4;
	_ =	sdelay $0x1  }
0xa9: {  	s1 =	sld [smem:$0x7FA];
	_ =	sdelay $0x1  }
0xaa: {  	s10 =	sld [smem:$0x7FB];
	v3 =	vperm.xlane v3, v2  }
0xab: {  	[hbm4b:s2+s3] =	stream.indirect_vreg.scatter [tilespmem:s1], [sflag:$0x1], $0x80, v4, vm0, $0xb8;
	[tilespmem:$0x18200] =	vst v63  }
0xac: {  	v3 =	vadd.s32 v1, v3;
	s1 =	sld [smem:$0x7FC]  }
0xad: {  	[hbm4b:s4+s3] =	stream.indirect_vreg.scatter [tilespmem:s10], [sflag:$0x1], $0x80, v4, vm0, $0xb8;
	[tilespmem:$0x18200] =	vst v63  }
0xae: {  	s10 =	sld [smem:$0x7FD]  }
0xaf: {  	[hbm4b:s5+s3] =	stream.indirect_vreg.scatter [tilespmem:s1], [sflag:$0x1], $0x80, v4, vm0, $0xb8;
	[tilespmem:$0x18200] =	vst v63  }
0xb0: {  	_ = 	snop  }
0xb1: {  	[hbm4b:s2+s3] =	stream.indirect_vreg.scatter [tilespmem:s10], [sflag:$0x1], $0x80, v3, vm0, $0xb8;
	[tilespmem:$0x18200] =	vst v63  }
0xb2: {  	s10 =	simm.s32 $0xE200  }
0xb3: {  	[hbm4b:s4+s3] =	stream.indirect_vreg.scatter [tilespmem:s10], [sflag:$0x1], $0x80, v3, vm0, $0xb8;
	[tilespmem:$0x18200] =	vst v63  }
0xb4: {  	_ = 	snop  }
0xb5: {  	[hbm4b:s5+s3] =	stream.indirect_vreg.scatter [tilespmem:s11], [sflag:$0x1], $0x80, v3, vm0, $0xb8;
	[tilespmem:$0x18200] =	vst v63  }
0xb6: {  	v3 =	vld [tilespmem:$0x1D0];
	_ =	sdelay $0x4  }
0xb7: {  	v61 =	vshrl.u32 v3, $0x3  }
0xb8: {  	v4 =	vmul.u32 $0x30, v61  }
0xb9: {  	v3 =	vand.u32 $0x7, v3  }
0xba: {  	v3 =	vor.u32 v3, v4  }
0xbb: {  	v4 =	vperm.xlane v3, v0;
	_ =	sdelay $0x1  }
0xbc: {  	v4 =	vadd.s32 v1, v4;
	_ =	sdelay $0x3  }
0xbd: {  	v3 =	vperm.xlane v3, v2  }
0xbe: {  	[hbm4b:s2+s3] =	stream.indirect_vreg.scatter [tilespmem:s12], [sflag:$0x1], $0x80, v4, vm0, $0xb8;
	[tilespmem:$0x18200] =	vst v63  }
0xbf: {  	v3 =	vadd.s32 v1, v3  }
0xc0: {  	[hbm4b:s4+s3] =	stream.indirect_vreg.scatter [tilespmem:s13], [sflag:$0x1], $0x80, v4, vm0, $0xb8;
	[tilespmem:$0x18200] =	vst v63  }
0xc1: {  	_ = 	snop  }
0xc2: {  	[hbm4b:s5+s3] =	stream.indirect_vreg.scatter [tilespmem:s14], [sflag:$0x1], $0x80, v4, vm0, $0xb8;
	[tilespmem:$0x18200] =	vst v63  }
0xc3: {  	_ = 	snop  }
0xc4: {  	[hbm4b:s2+s3] =	stream.indirect_vreg.scatter [tilespmem:s15], [sflag:$0x1], $0x80, v3, vm0, $0xb8;
	[tilespmem:$0x18200] =	vst v63  }
0xc5: {  	_ = 	snop  }
0xc6: {  	[hbm4b:s4+s3] =	stream.indirect_vreg.scatter [tilespmem:s16], [sflag:$0x1], $0x80, v3, vm0, $0xb8;
	[tilespmem:$0x18200] =	vst v63  }
0xc7: {  	_ = 	snop  }
0xc8: {  	[hbm4b:s5+s3] =	stream.indirect_vreg.scatter [tilespmem:s17], [sflag:$0x1], $0x80, v3, vm0, $0xb8;
	[tilespmem:$0x18200] =	vst v63  }
0xc9: {  	v3 =	vld [tilespmem:$0x1E0];
	_ =	sdelay $0x4  }
0xca: {  	v62 =	vshrl.u32 v3, $0x3  }
0xcb: {  	v4 =	vmul.u32 $0x30, v62  }
0xcc: {  	v3 =	vand.u32 $0x7, v3  }
0xcd: {  	v3 =	vor.u32 v3, v4  }
0xce: {  	v4 =	vperm.xlane v3, v0;
	_ =	sdelay $0x1  }
0xcf: {  	v4 =	vadd.s32 v1, v4;
	_ =	sdelay $0x3  }
0xd0: {  	v3 =	vperm.xlane v3, v2  }
0xd1: {  	[hbm4b:s2+s3] =	stream.indirect_vreg.scatter [tilespmem:s18], [sflag:$0x1], $0x80, v4, vm0, $0xb8;
	[tilespmem:$0x18200] =	vst v63  }
0xd2: {  	v3 =	vadd.s32 v1, v3  }
0xd3: {  	[hbm4b:s4+s3] =	stream.indirect_vreg.scatter [tilespmem:s19], [sflag:$0x1], $0x80, v4, vm0, $0xb8;
	[tilespmem:$0x18200] =	vst v63  }
0xd4: {  	_ = 	snop  }
0xd5: {  	[hbm4b:s5+s3] =	stream.indirect_vreg.scatter [tilespmem:s20], [sflag:$0x1], $0x80, v4, vm0, $0xb8;
	[tilespmem:$0x18200] =	vst v63  }
0xd6: {  	_ = 	snop  }
0xd7: {  	[hbm4b:s2+s3] =	stream.indirect_vreg.scatter [tilespmem:s21], [sflag:$0x1], $0x80, v3, vm0, $0xb8;
	[tilespmem:$0x18200] =	vst v63  }
0xd8: {  	_ = 	snop  }
0xd9: {  	[hbm4b:s4+s3] =	stream.indirect_vreg.scatter [tilespmem:s22], [sflag:$0x1], $0x80, v3, vm0, $0xb8;
	[tilespmem:$0x18200] =	vst v63  }
0xda: {  	_ = 	snop  }
0xdb: {  	[hbm4b:s5+s3] =	stream.indirect_vreg.scatter [tilespmem:s23], [sflag:$0x1], $0x80, v3, vm0, $0xb8;
	[tilespmem:$0x18200] =	vst v63  }
0xdc: {  	v3 =	vld [tilespmem:$0x1F0];
	_ =	sdelay $0x4  }
0xdd: {  	v63 =	vshrl.u32 v3, $0x3  }
0xde: {  	v4 =	vmul.u32 $0x30, v63  }
0xdf: {  	v3 =	vand.u32 $0x7, v3  }
0xe0: {  	v3 =	vor.u32 v3, v4  }
0xe1: {  	v4 =	vperm.xlane v3, v0;
	_ =	sdelay $0x1  }
0xe2: {  	v4 =	vadd.s32 v1, v4;
	_ =	sdelay $0x3  }
0xe3: {  	v3 =	vperm.xlane v3, v2  }
0xe4: {  	[hbm4b:s2+s3] =	stream.indirect_vreg.scatter [tilespmem:s24], [sflag:$0x1], $0x80, v4, vm0, $0xb8;
	[tilespmem:$0x18200] =	vst v63  }
0xe5: {  	v3 =	vadd.s32 v1, v3  }
0xe6: {  	[hbm4b:s4+s3] =	stream.indirect_vreg.scatter [tilespmem:s25], [sflag:$0x1], $0x80, v4, vm0, $0xb8;
	[tilespmem:$0x18200] =	vst v63  }
0xe7: {  	_ = 	snop  }
0xe8: {  	[hbm4b:s5+s3] =	stream.indirect_vreg.scatter [tilespmem:s26], [sflag:$0x1], $0x80, v4, vm0, $0xb8;
	[tilespmem:$0x18200] =	vst v63  }
0xe9: {  	_ = 	snop  }
0xea: {  	[hbm4b:s2+s3] =	stream.indirect_vreg.scatter [tilespmem:s28], [sflag:$0x1], $0x80, v3, vm0, $0xb8;
	[tilespmem:$0x18200] =	vst v63  }
0xeb: {  	_ = 	snop  }
0xec: {  	[hbm4b:s4+s3] =	stream.indirect_vreg.scatter [tilespmem:s29], [sflag:$0x1], $0x80, v3, vm0, $0xb8;
	[tilespmem:$0x18200] =	vst v63  }
0xed: {  	_ = 	snop  }
0xee: {  	[hbm4b:s5+s3] =	stream.indirect_vreg.scatter [tilespmem:s30], [sflag:$0x1], $0x80, v3, vm0, $0xb8;
	[tilespmem:$0x18200] =	vst v63  }
0xef: {  	_ =	swait.ge [sflag:s31], $0x18000  }
0xf0: {  	p0 =	sne.s32 s6, $0x1;
	[sflag:s31] =	ssyncset.done $0x0  }
.Ltmp0:
0xf1: {  	s10 =	rddreg [dreg:$0x8];
	[sflag:s31] =	ssyncadd.s32 $0xFFFE8000;
	(pc) =	sbr.rel @p0 .LBB2_1-.Ltmp0, $4  }
0xf2: {  	[hbm4b:s10+s3] =	stream.linear.scatter [tilespmem:s0], [sflag:$0x2], $0x80, $0x38;
	[tilespmem:$0x18200] =	vst v63  }
0xf3: {  	_ =	swait.ge [sflag:s7], $0x80  }
0xf4: {  	[sflag:s7] =	ssyncset.done $0x0  }
0xf5: {  	s6 =	sadd.s32 $0xFFFFFFFF, s6;
	[sflag:s7] =	ssyncadd.s32 $0xFFFFFF80  }
0xf6: {  	_ =	sfence.sel $0x180000  }
0xf7: {  	[bflag:$0x0] =	sbarrier.arrive $0xFFFF  }
0xf8: {  	_ =	strace $0x90000047  }
0xf9: {  	s0 =	stileid.u32;
	[bflag:$0x2] =	sbarrier.arrive $0xFFFF  }
0xfa: {  	p0 =	sne.s32 s0, $0x0;
	s0 =	rddreg [dreg:$0x3]  }
0xfb: {  	s0 =	sadd.s32 @!p0 $0x100000, s0  }
0xfc: {  	[sflag:s0] =	ssyncadd.tile.s32 @!p0 $0x1;
	_ =	shalt  }
.Lfunc_end2:
_tile_overlayer_lowered:
.L_overlay_start_2:
0xfd: {  	(tag) =	ssettag $0x2  }
0xfe: {  	s0 =	rddreg [dreg:$0x0];
	s2 =	stileid.u32  }
0xff: {  	s1 =	rddreg [dreg:$0x1];
	p0 =	sne.s32 s2, $0x0  }
0x100: {  	s3 =	rddreg [dreg:$0x2];
	[bflag:$0x3] =	sbarrier.arrive $0xFFFF;
	s2 =	simm.s32 @!p0 $0x1C02  }
0x101: {  	[timem:s3], [sflag:s2] =	dma.local @!p0 [hbm:s0], s1  }
0x102: {  	s0 =	simm.s32 @!p0 $0x2  }
0x103: {  	_ =	swait.ge @!p0 [sflag:s0], s1  }
0x104: {  	s1 =	ssub.s32 @!p0 $0x0, s1;
	[sflag:s0] =	ssyncset.done @!p0 $0x0  }
0x105: {  	[sflag:s0] =	ssyncadd.s32 @!p0 s1  }
0x106: {  	[bflag:$0x3] =	sbarrier.arrive $0xFFFF  }
0x107: {  	_ =	shalt  }

// kernel: kernel.9.cloned.1.call-start
scs
__scs_entry_jumppad:
0x0: {  	(pc) =	sbr.rel $0x88, $3  }
0x1: {  	(tag) =	ssettag $0x0;
	lr =	simm.s32 $0x1  }
0x2: {  	[smem:$0x3F9A] =	sst lr;
	_ =	strace $0xD0000000  }
0x3: {  	_ = 	snop  }
0x4: {  	_ = 	snop  }
0x5: {  	_ = 	snop  }
0x6: {  	_ = 	snop  }
0x7: {  	_ = 	snop  }
__scs_overlays_trampoline_lowered:
0x8: {  	[smem:$0x3FA9] =	sst s0  }
0x9: {  	[smem:$0x3FAA] =	sst s1  }
0xa: {  	[smem:$0x3FAB] =	sst s2  }
0xb: {  	[smem:$0x3FAC] =	sst s3  }
0xc: {  	[smem:$0x3FAD] =	sst s4  }
0xd: {  	[smem:$0x3FAE] =	sst s5  }
0xe: {  	[smem:$0x3FAF] =	sst s6  }
0xf: {  	[smem:$0x3FB0] =	sst s7  }
0x10: {  	[smem:$0x3FB1] =	sst s8  }
0x11: {  	[smem:$0x3FB2] =	sst s9;
	s0 =	simm.s32 @!p0 $0x0  }
0x12: {  	s1 =	sld [smem:$0x3F98];
	s0 =	simm.s32 @p0 $0x1  }
0x13: {  	[smem:$0x3FB3] =	sst s0;
	s0 =	simm.s32 @!p1 $0x0  }
0x14: {  	s2 =	sld [smem:$0x3F97];
	s0 =	simm.s32 @p1 $0x1  }
0x15: {  	[smem:$0x3FB4] =	sst s0;
	s0 =	simm.s32 @!p2 $0x0  }
0x16: {  	s3 =	sld [smem:$0x3FDB];
	s0 =	simm.s32 @p2 $0x1  }
0x17: {  	s4 =	simm.s32 $0x1BF5;
	[smem:$0x3FB6] =	sst s0  }
0x18: {  	s0 =	sld [smem:$0x3F99];
	_ =	swait.ge [sflag:s4], $0x0  }
0x19: {  	s7 =	sld [smem:$0x3F9A]  }
0x1a: {  	s8 =	sadd.s32 $0xFFFFE003, lr  }
0x1b: {  	s9 =	sadd.s32 $0xFFFFFEF7, lr;
	s5 =	simm.s32 $0xFFFFFFFF;
	p2 =	slt.u32 s8, $0xFFFFF086  }
0x1c: {  	p1 =	slt.u32 s9, $0xF7A;
	s5 =	simm.s32 @!p2 $0x0  }
0x1d: {  	s5 =	simm.s32 @p1 $0x1;
	p0 =	seq.s32 s7, s2  }
0x1e: {  	s7 =	smul.u32 @!p0 $0xF7A, s2;
	p2 =	seq.s32 @!p0 s5, $0x0  }
0x1f: {  	s9 =	smul.u32 $0xF7A, s1;
	s8 =	simm.s32 @!p0 $0x1BF5;
	p2 =	por !p2, p0  }
0x20: {  	[sflag:s8] =	ssyncset.s32 @!p0 $0xFFFFF086;
	s6 =	sadd.s32 @!p0 s3, s7;
	s7 =	simm.s32 @!p0 $0x108  }
0x21: {  	s3 =	sadd.s32 s3, s9;
	s6 =	sadd.s32 @!p0 $0x88, s6;
	s7 =	simm.s32 @p2 $0x1082  }
0x22: {  	[simem:s7], [sflag:s8] =	dma.local @!p0 [hbm:s6], $0xF7A  }
0x23: {  	s9 =	sor.u32 $0xD0000000, s2;
	s6 =	simm.s32 $0x108;
	_ =	swait.ge @!p0 [sflag:s8], $0x0  }
0x24: {  	s3 =	sadd.s32 $0x88, s3;
	s6 =	simm.s32 @!p1 $0x1082;
	[sflag:s4] =	ssyncset.s32 $0xFFFFF086  }
0x25: {  	[simem:s6], [sflag:s4] =	dma.local [hbm:s3], $0xF7A  }
0x26: {  	[smem:$0x3F9A] =	sst s1;
	(tag) =	ssettag s2;
	_ =	strace s9  }
0x27: {  	s1 =	sld [smem:$0x3FAA]  }
0x28: {  	s2 =	sld [smem:$0x3FAB]  }
0x29: {  	s4 =	sld [smem:$0x3FAD]  }
0x2a: {  	p0 =	seq.s32 s5, $0x0;
	s5 =	sld [smem:$0x3FAE]  }
0x2b: {  	s6 =	sld [smem:$0x3FAF]  }
0x2c: {  	s7 =	sld [smem:$0x3FB0]  }
0x2d: {  	s3 =	simm.s32 $0x108;
	s8 =	sld [smem:$0x3FB1]  }
0x2e: {  	s3 =	simm.s32 @!p0 $0x1082;
	s9 =	sld [smem:$0x3FB2]  }
0x2f: {  	lr =	sadd.s32 s0, s3;
	s0 =	sld [smem:$0x3FA9]  }
0x30: {  	s3 =	sld [smem:$0x3FAC]  }
0x31: {  	[smem:$0x3FB5] =	sst s10  }
0x32: {  	s10 =	sld [smem:$0x3FB3];
	_ =	sdelay $0x3  }
0x33: {  	p0 =	seq.s32 s10, $0x1;
	s10 =	sld [smem:$0x3FB5];
	_ =	sdelay $0x3  }
0x34: {  	[smem:$0x3FB5] =	sst s10  }
0x35: {  	s10 =	sld [smem:$0x3FB4];
	_ =	sdelay $0x3  }
0x36: {  	p1 =	seq.s32 s10, $0x1;
	s10 =	sld [smem:$0x3FB5];
	_ =	sdelay $0x3  }
0x37: {  	[smem:$0x3FB5] =	sst s10  }
0x38: {  	s10 =	sld [smem:$0x3FB6]  }
0x39: {  	_ = 	snop;
	(pc) =	sbr.ind lr, $3  }
0x3a: {  	_ = 	snop  }
0x3b: {  	_ = 	snop  }
0x3c: {  	p2 =	seq.s32 s10, $0x1;
	s10 =	sld [smem:$0x3FB5]  }
0x3d: {  	_ =	shalt  }
0x3e: {  	_ =	shalt  }
0x3f: {  	_ =	shalt  }
0x40: {  	_ =	shalt  }
0x41: {  	_ =	shalt  }
0x42: {  	_ =	shalt  }
0x43: {  	_ =	shalt  }
0x44: {  	_ =	shalt  }
0x45: {  	_ =	shalt  }
0x46: {  	_ =	shalt  }
0x47: {  	_ =	shalt  }
0x48: {  	_ =	shalt  }
0x49: {  	_ =	shalt  }
0x4a: {  	_ =	shalt  }
0x4b: {  	_ =	shalt  }
0x4c: {  	_ =	shalt  }
0x4d: {  	_ =	shalt  }
0x4e: {  	_ =	shalt  }
0x4f: {  	_ =	shalt  }
0x50: {  	_ =	shalt  }
0x51: {  	_ =	shalt  }
0x52: {  	_ =	shalt  }
0x53: {  	_ =	shalt  }
0x54: {  	_ =	shalt  }
0x55: {  	_ =	shalt  }
0x56: {  	_ =	shalt  }
0x57: {  	_ =	shalt  }
0x58: {  	_ =	shalt  }
0x59: {  	_ =	shalt  }
0x5a: {  	_ =	shalt  }
0x5b: {  	_ =	shalt  }
0x5c: {  	_ =	shalt  }
0x5d: {  	_ =	shalt  }
0x5e: {  	_ =	shalt  }
0x5f: {  	_ =	shalt  }
0x60: {  	_ =	shalt  }
0x61: {  	_ =	shalt  }
0x62: {  	_ =	shalt  }
0x63: {  	_ =	shalt  }
0x64: {  	_ =	shalt  }
0x65: {  	_ =	shalt  }
0x66: {  	_ =	shalt  }
0x67: {  	_ =	shalt  }
0x68: {  	_ =	shalt  }
0x69: {  	_ =	shalt  }
0x6a: {  	_ =	shalt  }
0x6b: {  	_ =	shalt  }
0x6c: {  	_ =	shalt  }
0x6d: {  	_ =	shalt  }
0x6e: {  	_ =	shalt  }
0x6f: {  	_ =	shalt  }
0x70: {  	_ =	shalt  }
0x71: {  	_ =	shalt  }
0x72: {  	_ =	shalt  }
0x73: {  	_ =	shalt  }
0x74: {  	_ =	shalt  }
0x75: {  	_ =	shalt  }
0x76: {  	_ =	shalt  }
0x77: {  	_ =	shalt  }
0x78: {  	_ =	shalt  }
0x79: {  	_ =	shalt  }
0x7a: {  	_ =	shalt  }
0x7b: {  	_ =	shalt  }
0x7c: {  	_ =	shalt  }
0x7d: {  	_ =	shalt  }
0x7e: {  	_ =	shalt  }
0x7f: {  	_ =	shalt  }
0x80: {  	_ =	shalt  }
0x81: {  	_ =	shalt  }
0x82: {  	_ =	shalt  }
0x83: {  	_ =	shalt  }
0x84: {  	_ =	shalt  }
0x85: {  	_ =	shalt  }
0x86: {  	_ =	shalt  }
0x87: {  	_ =	shalt  }
.Lfunc_end0:
.L_simem_size_0:
called_computation.1_lowered:
.L_overlay_start_0:
0x88: {  	s2 =	sld [smem:$0x3FD9]  }
0x89: {  	s3 =	sld [smem:$0x3FFE];
	_ =	sdelay $0x1  }
0x8a: {  	s1 =	srdreg.scid  }
0x8b: {  	s0 =	sand.u32 $0x1, s1  }
0x8c: {  	s17 =	sshll.u32 s0, $0xA;
	s2 =	sadd.s32 s3, s2  }
0x8d: {  	s2 =	sadd.s32 s2, s17  }
0x8e: {  	[smem:$0x3FC1] =	sst s2  }
0x8f: {  	_ = 	snop  }
0x90: {  	s2 =	sld [smem:$0x3FD0];
	(tm) =	ssettm $0x1  }
0x91: {  	s18 =	sld [smem:$0x3FFB];
	_ =	sdelay $0x3  }
0x92: {  	_ =	strace s18  }
0x93: {  	s3 =	sld [smem:$0x3FFC];
	_ =	sdelay $0x3  }
0x94: {  	_ =	strace s3  }
0x95: {  	s3 =	sld [smem:$0x3FFD];
	_ =	sdelay $0x3  }
0x96: {  	_ =	strace s3  }
0x97: {  	_ =	strace $0x8FFFFFFF  }
0x98: {  	s19 =	sld [smem:$0x3FDB];
	_ =	sdelay $0x1  }
0x99: {  	s4 =	simm.s32 $_scs_section_size  }
0x9a: {  	s5 =	simm.s32 $_size__tile_overlayer_lowered;
	s6 =	simm.s32 $_tile_overlayer_lowered  }
0x9b: {  	s22 =	simm.s32 $0x1BFF;
	s21 =	sshll.u32 s6, $0x1;
	s3 =	sadd.s32 s4, s19  }
0x9c: {  	s7 =	simm.s32 $0x0;
	s20 =	sshll.u32 s5, $0x1;
	s5 =	sadd.s32 s21, s3  }
0x9d: {  	[timem:s7], [sflag:s22] =	dma.local [hbm:s5], s20  }
0x9e: {  	_ =	swait.ge [sflag:s22], s20  }
0x9f: {  	s4 =	ssub.s32 $0x0, s20;
	[sflag:s22] =	ssyncset.done $0x0  }
0xa0: {  	[sflag:s22] =	ssyncadd.s32 s4;
	_ =	sdelay $0x1  }
0xa1: {  	s23 =	simm.s32 $0x1B8B  }
0xa2: {  	_ =	swait.ge [sflag:s23], $0x1  }
0xa3: {  	[sflag:s23] =	ssyncset.done $0x0  }
0xa4: {  	s25 =	simm.s32 $0x1B8E;
	s24 =	sld [smem:$0x3FFE];
	[sflag:s23] =	ssyncadd.s32 $0xFFFFFFFF  }
0xa5: {  	s26 =	simm.s32 $execute0_lowered;
	[smem:$0x3FD2] =	sst s25  }
0xa6: {  	s5 =	sshll.u32 s26, $0x1;
	_ =	strace $0x80000049;
	[dreg:$0x1] =	wrdreg $0xFFFFFFFF  }
0xa7: {  	s28 =	simm.s32 $_size_execute0_lowered;
	s3 =	sadd.s32 s3, s5;
	[dreg:$0x0] =	wrdreg $0x0  }
0xa8: {  	s5 =	sshll.u32 s28, $0x1;
	[dreg:$0x2] =	wrdreg s3  }
0xa9: {  	[dreg:$0x3] =	wrdreg s5  }
0xaa: {  	[dreg:$0x4] =	wrdreg $0xC0  }
0xab: {  	_ =	task [dreg:s7], $0x5FFFF  }
0xac: {  	[dreg:$0x1] =	wrdreg $0xFFFFFFFF  }
0xad: {  	[dreg:$0x0] =	wrdreg $0x60  }
0xae: {  	[dreg:$0x2] =	wrdreg s24  }
0xaf: {  	[dreg:$0x3] =	wrdreg s2  }
0xb0: {  	[dreg:$0x4] =	wrdreg $0x9  }
0xb1: {  	_ =	task.clear_ibuf [dreg:s7], $0x5FFFF;
	_ =	strace $0x90000049  }
0xb2: {  	s29 =	simm.s32 $0x9;
	_ =	strace $0x8000004B  }
0xb3: {  	_ =	swait.ge [sflag:s29], $0x1  }
0xb4: {  	[sflag:s29] =	ssyncadd.s32 $0xFFFFFFFF  }
0xb5: {  	_ =	strace $0x9000004B  }
0xb6: {  	_ =	sfence  }
0xb7: {  	s30 =	sld [smem:$0x0];
	_ =	sdelay $0x2  }
0xb8: {  	s31 =	sshll.u32 s1, $0xD;
	s1 =	sshrl.u32 s1, $0x2  }
0xb9: {  	s3 =	sand.u32 $0x4000, s31;
	s1 =	sadd.s32 s1, s30  }
0xba: {  	s0 =	sor.u32 s3, s0;
	s1 =	sshll.u32 s1, $0x11  }
0xbb: {  	s0 =	sor.u32 s1, s0  }
0xbc: {  	s0 =	sadd.s32 $0x8F2B, s0  }
0xbd: {  	[sflag:s0] =	ssyncadd.remote.s32 $0x1  }
0xbe: {  	_ =	sfence.sel $0xFFFF  }
0xbf: {  	[dreg:$0x0] =	wrdreg $0xFFFFFFFF;
	(pc) =	sbr.abs _section_cstart, $3  }
0xc0: {  	[dreg:$0x1] =	wrdreg $0xFFFFFFFF  }
0xc1: {  	_ =	task.clear_ibuf [dreg:s7], $0x2FFFF;
	_ =	strace $0x9FFFFFFF  }
0xc2: {  	(tm) =	ssettm $0x7FFFFFFF  }
0xc3: {  	_ =	shalt  }
tec
execute0_lowered:
.L_overlay_start_1:
0x0: {  	(tag) =	ssettag $0x1  }
0x1: {  	s0 =	rddreg [dreg:$0x0]  }
0x2: {  	s1 =	rddreg [dreg:$0x1];
	s3 =	srdreg.scid  }
0x3: {  	s2 =	simm.s32 $0x0;
	s4 =	stileid.u32;
	s10 =	simm.s32 $0x2  }
0x4: {  	s11 =	simm.s32 $0x80;
	s12 =	simm.s32 $0x100;
	s28 =	simm.s32 $0x11900  }
0x5: {  	s29 =	simm.s32 $0x12100;
	s30 =	simm.s32 $0x12900;
	s31 =	simm.s32 $0x13100  }
0x6: {  	s13 =	simm.s32 $0x14900;
	s14 =	simm.s32 $0x15100;
	s15 =	simm.s32 $0x15900  }
0x7: {  	s16 =	simm.s32 $0x16100;
	s17 =	simm.s32 $0x16900;
	s18 =	simm.s32 $0x17100  }
0x8: {  	s19 =	simm.s32 $0x17900;
	s20 =	simm.s32 $0x1;
	s21 =	simm.s32 $0x0  }
0x9: {  	s3 =	sand.u32 $0x1, s3;
	[smem:$0x7FF] =	sst s2;
	s4 =	sshll.u32 s4, $0x5  }
0xa: {  	s5 =	sshll.u32 s3, $0x4;
	_ =	strace $0x8000004A;
	s26 =	ssub.s32 $0x2, s3  }
0xb: {  	s3 =	sadd.s32 $0x2C00, s0;
	s5 =	sor.u32 s5, s4;
	s7 =	sshrl.u32 s26, $0x1  }
0xc: {  	s6 =	sadd.s32 s5, s0;
	s9 =	ssub.s32 s26, s7;
	s8 =	smul.u32 $0x300, s5  }
0xd: {  	v2 =	vlaneseq.u32;
	s7 =	sadd.s32 $0x2E00, s0;
	s26 =	simm.s32 $0x11100;
	s4 =	sadd.s32 $0x2A00, s6  }
0xe: {  	vm0 =	vmmov $0xffff;
	v1 =	vshrl.u32 v2, $0x3;
	s5 =	sadd.s32 $0x2800, s6;
	s6 =	sadd.s32 $0x2D00, s0;
	s9 =	smax.u32 s9, $0x1  }
0xf: {  	v0 =	vand.u32 $0x7, v2;
	v2 =	vor.u32 $0x8, v2;
	v1 =	vmul.u32 $0x8, v1;
	s0 =	simm.s32 $0x13900;
	s8 =	sadd.s32 s1, s8;
	s1 =	simm.s32 $0x14100  }
.LBB2_1:
0x10: {  	[tilespmem:s2], [sflag:$0x2] =	stream.linear.gather [hbm4b:s4+s2], $0x80, $0x38;
	[tilespmem:$0x18100] =	vst v63  }
0x11: {  	_ =	swait.ge [sflag:s10], $0x80  }
0x12: {  	[sflag:s10] =	ssyncset.done $0x0  }
0x13: {  	[sflag:s10] =	ssyncadd.s32 $0xFFFFFF80  }
0x14: {  	[tilespmem:s11], [sflag:$0x2] =	stream.linear.gather [hbm4b:s5+s2], $0x80, $0x38;
	[tilespmem:$0x18100] =	vst v63  }
0x15: {  	_ =	swait.ge [sflag:s10], $0x80  }
0x16: {  	[sflag:s10] =	ssyncset.done $0x0  }
0x17: {  	[sflag:s10] =	ssyncadd.s32 $0xFFFFFF80  }
0x18: {  	v3 =	vld [tilespmem:$0x0];
	_ =	sdelay $0x4  }
0x19: {  	v4 =	vshrl.u32 v3, $0x3  }
0x1a: {  	v4 =	vmul.u32 $0x30, v4  }
0x1b: {  	v3 =	vand.u32 $0x7, v3  }
0x1c: {  	v3 =	vor.u32 v3, v4  }
0x1d: {  	v4 =	vperm.xlane v3, v0;
	_ =	sdelay $0x1  }
0x1e: {  	v4 =	vadd.s32 v1, v4;
	_ =	sdelay $0x3  }
0x1f: {  	v3 =	vperm.xlane v3, v2  }
0x20: {  	[tilespmem:s12], [sflag:$0x1] =	stream.indirect_vreg.gather [hbm4b:s3+s2], $0x80, v4, vm0, $0xb8;
	[tilespmem:$0x18100] =	vst v63  }
0x21: {  	s22 =	simm.s32 $0x900;
	v3 =	vadd.s32 v1, v3  }
0x22: {  	[tilespmem:s22], [sflag:$0x1] =	stream.indirect_vreg.gather [hbm4b:s6+s2], $0x80, v4, vm0, $0xb8;
	[tilespmem:$0x18100] =	vst v63  }
0x23: {  	s24 =	simm.s32 $0x1100  }
0x24: {  	[tilespmem:s24], [sflag:$0x1] =	stream.indirect_vreg.gather [hbm4b:s7+s2], $0x80, v4, vm0, $0xb8;
	[tilespmem:$0x18100] =	vst v63  }
0x25: {  	s25 =	simm.s32 $0x1900  }
0x26: {  	[tilespmem:s25], [sflag:$0x1] =	stream.indirect_vreg.gather [hbm4b:s3+s2], $0x80, v3, vm0, $0xb8;
	[tilespmem:$0x18100] =	vst v63  }
0x27: {  	s23 =	simm.s32 $0x2100  }
0x28: {  	[tilespmem:s23], [sflag:$0x1] =	stream.indirect_vreg.gather [hbm4b:s6+s2], $0x80, v3, vm0, $0xb8;
	[tilespmem:$0x18100] =	vst v63  }
0x29: {  	s24 =	simm.s32 $0x2900  }
0x2a: {  	[tilespmem:s24], [sflag:$0x1] =	stream.indirect_vreg.gather [hbm4b:s7+s2], $0x80, v3, vm0, $0xb8;
	[tilespmem:$0x18100] =	vst v63  }
0x2b: {  	v3 =	vld [tilespmem:$0x10];
	_ =	sdelay $0x4  }
0x2c: {  	v57 =	vshrl.u32 v3, $0x3  }
0x2d: {  	v4 =	vmul.u32 $0x30, v57  }
0x2e: {  	v3 =	vand.u32 $0x7, v3  }
0x2f: {  	v3 =	vor.u32 v3, v4  }
0x30: {  	v4 =	vperm.xlane v3, v0;
	_ =	sdelay $0x1  }
0x31: {  	v4 =	vadd.s32 v1, v4;
	_ =	sdelay $0x3  }
0x32: {  	s25 =	simm.s32 $0x3100;
	v3 =	vperm.xlane v3, v2  }
0x33: {  	[tilespmem:s25], [sflag:$0x1] =	stream.indirect_vreg.gather [hbm4b:s3+s2], $0x80, v4, vm0, $0xb8;
	[tilespmem:$0x18100] =	vst v63  }
0x34: {  	s23 =	simm.s32 $0x3900;
	v3 =	vadd.s32 v1, v3  }
0x35: {  	[tilespmem:s23], [sflag:$0x1] =	stream.indirect_vreg.gather [hbm4b:s6+s2], $0x80, v4, vm0, $0xb8;
	[tilespmem:$0x18100] =	vst v63  }
0x36: {  	s24 =	simm.s32 $0x4100  }
0x37: {  	[tilespmem:s24], [sflag:$0x1] =	stream.indirect_vreg.gather [hbm4b:s7+s2], $0x80, v4, vm0, $0xb8;
	[tilespmem:$0x18100] =	vst v63  }
0x38: {  	s25 =	simm.s32 $0x4900  }
0x39: {  	[tilespmem:s25], [sflag:$0x1] =	stream.indirect_vreg.gather [hbm4b:s3+s2], $0x80, v3, vm0, $0xb8;
	[tilespmem:$0x18100] =	vst v63  }
0x3a: {  	s23 =	simm.s32 $0x5100  }
0x3b: {  	[tilespmem:s23], [sflag:$0x1] =	stream.indirect_vreg.gather [hbm4b:s6+s2], $0x80, v3, vm0, $0xb8;
	[tilespmem:$0x18100] =	vst v63  }
0x3c: {  	s24 =	simm.s32 $0x5900  }
0x3d: {  	[tilespmem:s24], [sflag:$0x1] =	stream.indirect_vreg.gather [hbm4b:s7+s2], $0x80, v3, vm0, $0xb8;
	[tilespmem:$0x18100] =	vst v63  }
0x3e: {  	v3 =	vld [tilespmem:$0x20];
	_ =	sdelay $0x4  }
0x3f: {  	v58 =	vshrl.u32 v3, $0x3  }
0x40: {  	v4 =	vmul.u32 $0x30, v58  }
0x41: {  	v3 =	vand.u32 $0x7, v3  }
0x42: {  	v3 =	vor.u32 v3, v4  }
0x43: {  	v4 =	vperm.xlane v3, v0;
	_ =	sdelay $0x1  }
0x44: {  	v4 =	vadd.s32 v1, v4;
	_ =	sdelay $0x3  }
0x45: {  	s25 =	simm.s32 $0x6100;
	v3 =	vperm.xlane v3, v2  }
0x46: {  	[tilespmem:s25], [sflag:$0x1] =	stream.indirect_vreg.gather [hbm4b:s3+s2], $0x80, v4, vm0, $0xb8;
	[tilespmem:$0x18100] =	vst v63  }
0x47: {  	s23 =	simm.s32 $0x6900;
	v3 =	vadd.s32 v1, v3  }
0x48: {  	[tilespmem:s23], [sflag:$0x1] =	stream.indirect_vreg.gather [hbm4b:s6+s2], $0x80, v4, vm0, $0xb8;
	[tilespmem:$0x18100] =	vst v63  }
0x49: {  	s24 =	simm.s32 $0x7100  }
0x4a: {  	[tilespmem:s24], [sflag:$0x1] =	stream.indirect_vreg.gather [hbm4b:s7+s2], $0x80, v4, vm0, $0xb8;
	[tilespmem:$0x18100] =	vst v63  }
0x4b: {  	s25 =	simm.s32 $0x7900  }
0x4c: {  	[tilespmem:s25], [sflag:$0x1] =	stream.indirect_vreg.gather [hbm4b:s3+s2], $0x80, v3, vm0, $0xb8;
	[tilespmem:$0x18100] =	vst v63  }
0x4d: {  	s23 =	simm.s32 $0x8100  }
0x4e: {  	[tilespmem:s23], [sflag:$0x1] =	stream.indirect_vreg.gather [hbm4b:s6+s2], $0x80, v3, vm0, $0xb8;
	[tilespmem:$0x18100] =	vst v63  }
0x4f: {  	s24 =	simm.s32 $0x8900  }
0x50: {  	[tilespmem:s24], [sflag:$0x1] =	stream.indirect_vreg.gather [hbm4b:s7+s2], $0x80, v3, vm0, $0xb8;
	[tilespmem:$0x18100] =	vst v63  }
0x51: {  	v3 =	vld [tilespmem:$0x30];
	_ =	sdelay $0x4  }
0x52: {  	v59 =	vshrl.u32 v3, $0x3  }
0x53: {  	v4 =	vmul.u32 $0x30, v59  }
0x54: {  	v3 =	vand.u32 $0x7, v3  }
0x55: {  	v3 =	vor.u32 v3, v4  }
0x56: {  	v4 =	vperm.xlane v3, v0;
	_ =	sdelay $0x1  }
0x57: {  	v4 =	vadd.s32 v1, v4;
	_ =	sdelay $0x3  }
0x58: {  	s25 =	simm.s32 $0x9100;
	v3 =	vperm.xlane v3, v2  }
0x59: {  	[tilespmem:s25], [sflag:$0x1] =	stream.indirect_vreg.gather [hbm4b:s3+s2], $0x80, v4, vm0, $0xb8;
	[tilespmem:$0x18100] =	vst v63  }
0x5a: {  	s23 =	simm.s32 $0x9900;
	v3 =	vadd.s32 v1, v3  }
0x5b: {  	[tilespmem:s23], [sflag:$0x1] =	stream.indirect_vreg.gather [hbm4b:s6+s2], $0x80, v4, vm0, $0xb8;
	[tilespmem:$0x18100] =	vst v63  }
0x5c: {  	s24 =	simm.s32 $0xA100  }
0x5d: {  	[tilespmem:s24], [sflag:$0x1] =	stream.indirect_vreg.gather [hbm4b:s7+s2], $0x80, v4, vm0, $0xb8;
	[tilespmem:$0x18100] =	vst v63  }
0x5e: {  	s25 =	simm.s32 $0xA900  }
0x5f: {  	[tilespmem:s25], [sflag:$0x1] =	stream.indirect_vreg.gather [hbm4b:s3+s2], $0x80, v3, vm0, $0xb8;
	[tilespmem:$0x18100] =	vst v63  }
0x60: {  	s23 =	simm.s32 $0xB100  }
0x61: {  	[tilespmem:s23], [sflag:$0x1] =	stream.indirect_vreg.gather [hbm4b:s6+s2], $0x80, v3, vm0, $0xb8;
	[tilespmem:$0x18100] =	vst v63  }
0x62: {  	s24 =	simm.s32 $0xB900  }
0x63: {  	[tilespmem:s24], [sflag:$0x1] =	stream.indirect_vreg.gather [hbm4b:s7+s2], $0x80, v3, vm0, $0xb8;
	[tilespmem:$0x18100] =	vst v63  }
0x64: {  	v3 =	vld [tilespmem:$0x40];
	_ =	sdelay $0x4  }
0x65: {  	v60 =	vshrl.u32 v3, $0x3  }
0x66: {  	v4 =	vmul.u32 $0x30, v60  }
0x67: {  	v3 =	vand.u32 $0x7, v3  }
0x68: {  	v3 =	vor.u32 v3, v4  }
0x69: {  	v4 =	vperm.xlane v3, v0;
	_ =	sdelay $0x1  }
0x6a: {  	v4 =	vadd.s32 v1, v4;
	_ =	sdelay $0x3  }
0x6b: {  	s25 =	simm.s32 $0xC100;
	v3 =	vperm.xlane v3, v2  }
0x6c: {  	[tilespmem:s25], [sflag:$0x1] =	stream.indirect_vreg.gather [hbm4b:s3+s2], $0x80, v4, vm0, $0xb8;
	[tilespmem:$0x18100] =	vst v63  }
0x6d: {  	s23 =	simm.s32 $0xC900;
	v3 =	vadd.s32 v1, v3  }
0x6e: {  	[tilespmem:s23], [sflag:$0x1] =	stream.indirect_vreg.gather [hbm4b:s6+s2], $0x80, v4, vm0, $0xb8;
	[tilespmem:$0x18100] =	vst v63  }
0x6f: {  	s24 =	simm.s32 $0xD100  }
0x70: {  	[tilespmem:s24], [sflag:$0x1] =	stream.indirect_vreg.gather [hbm4b:s7+s2], $0x80, v4, vm0, $0xb8;
	[tilespmem:$0x18100] =	vst v63  }
0x71: {  	s25 =	simm.s32 $0xD900  }
0x72: {  	[tilespmem:s25], [sflag:$0x1] =	stream.indirect_vreg.gather [hbm4b:s3+s2], $0x80, v3, vm0, $0xb8;
	[tilespmem:$0x18100] =	vst v63  }
0x73: {  	s23 =	simm.s32 $0xE100  }
0x74: {  	[tilespmem:s23], [sflag:$0x1] =	stream.indirect_vreg.gather [hbm4b:s6+s2], $0x80, v3, vm0, $0xb8;
	[tilespmem:$0x18100] =	vst v63  }
0x75: {  	s24 =	simm.s32 $0xE900  }
0x76: {  	[tilespmem:s24], [sflag:$0x1] =	stream.indirect_vreg.gather [hbm4b:s7+s2], $0x80, v3, vm0, $0xb8;
	[tilespmem:$0x18100] =	vst v63  }
0x77: {  	v3 =	vld [tilespmem:$0x50];
	_ =	sdelay $0x4  }
0x78: {  	v61 =	vshrl.u32 v3, $0x3  }
0x79: {  	v4 =	vmul.u32 $0x30, v61  }
0x7a: {  	v3 =	vand.u32 $0x7, v3  }
0x7b: {  	v3 =	vor.u32 v3, v4  }
0x7c: {  	v4 =	vperm.xlane v3, v0;
	_ =	sdelay $0x1  }
0x7d: {  	v4 =	vadd.s32 v1, v4;
	_ =	sdelay $0x3  }
0x7e: {  	s25 =	simm.s32 $0xF100;
	v3 =	vperm.xlane v3, v2  }
0x7f: {  	[tilespmem:s25], [sflag:$0x1] =	stream.indirect_vreg.gather [hbm4b:s3+s2], $0x80, v4, vm0, $0xb8;
	[tilespmem:$0x18100] =	vst v63  }
0x80: {  	s23 =	simm.s32 $0xF900;
	v3 =	vadd.s32 v1, v3  }
0x81: {  	[tilespmem:s23], [sflag:$0x1] =	stream.indirect_vreg.gather [hbm4b:s6+s2], $0x80, v4, vm0, $0xb8;
	[tilespmem:$0x18100] =	vst v63  }
0x82: {  	s24 =	simm.s32 $0x10100  }
0x83: {  	[tilespmem:s24], [sflag:$0x1] =	stream.indirect_vreg.gather [hbm4b:s7+s2], $0x80, v4, vm0, $0xb8;
	[tilespmem:$0x18100] =	vst v63  }
0x84: {  	s25 =	simm.s32 $0x10900  }
0x85: {  	[tilespmem:s25], [sflag:$0x1] =	stream.indirect_vreg.gather [hbm4b:s3+s2], $0x80, v3, vm0, $0xb8;
	[tilespmem:$0x18100] =	vst v63  }
0x86: {  	_ = 	snop  }
0x87: {  	[tilespmem:s26], [sflag:$0x1] =	stream.indirect_vreg.gather [hbm4b:s6+s2], $0x80, v3, vm0, $0xb8;
	[tilespmem:$0x18100] =	vst v63  }
0x88: {  	_ = 	snop  }
0x89: {  	[tilespmem:s28], [sflag:$0x1] =	stream.indirect_vreg.gather [hbm4b:s7+s2], $0x80, v3, vm0, $0xb8;
	[tilespmem:$0x18100] =	vst v63  }
0x8a: {  	v3 =	vld [tilespmem:$0x60];
	_ =	sdelay $0x4  }
0x8b: {  	v62 =	vshrl.u32 v3, $0x3  }
0x8c: {  	v4 =	vmul.u32 $0x30, v62  }
0x8d: {  	v3 =	vand.u32 $0x7, v3  }
0x8e: {  	v3 =	vor.u32 v3, v4  }
0x8f: {  	v4 =	vperm.xlane v3, v0;
	_ =	sdelay $0x1  }
0x90: {  	v4 =	vadd.s32 v1, v4;
	_ =	sdelay $0x3  }
0x91: {  	v3 =	vperm.xlane v3, v2  }
0x92: {  	[tilespmem:s29], [sflag:$0x1] =	stream.indirect_vreg.gather [hbm4b:s3+s2], $0x80, v4, vm0, $0xb8;
	[tilespmem:$0x18100] =	vst v63  }
0x93: {  	v3 =	vadd.s32 v1, v3  }
0x94: {  	[tilespmem:s30], [sflag:$0x1] =	stream.indirect_vreg.gather [hbm4b:s6+s2], $0x80, v4, vm0, $0xb8;
	[tilespmem:$0x18100] =	vst v63  }
0x95: {  	_ = 	snop  }
0x96: {  	[tilespmem:s31], [sflag:$0x1] =	stream.indirect_vreg.gather [hbm4b:s7+s2], $0x80, v4, vm0, $0xb8;
	[tilespmem:$0x18100] =	vst v63  }
0x97: {  	_ = 	snop  }
0x98: {  	[tilespmem:s0], [sflag:$0x1] =	stream.indirect_vreg.gather [hbm4b:s3+s2], $0x80, v3, vm0, $0xb8;
	[tilespmem:$0x18100] =	vst v63  }
0x99: {  	_ = 	snop  }
0x9a: {  	[tilespmem:s1], [sflag:$0x1] =	stream.indirect_vreg.gather [hbm4b:s6+s2], $0x80, v3, vm0, $0xb8;
	[tilespmem:$0x18100] =	vst v63  }
0x9b: {  	_ = 	snop  }
0x9c: {  	[tilespmem:s13], [sflag:$0x1] =	stream.indirect_vreg.gather [hbm4b:s7+s2], $0x80, v3, vm0, $0xb8;
	[tilespmem:$0x18100] =	vst v63  }
0x9d: {  	v3 =	vld [tilespmem:$0x70];
	_ =	sdelay $0x4  }
0x9e: {  	v63 =	vshrl.u32 v3, $0x3  }
0x9f: {  	v4 =	vmul.u32 $0x30, v63  }
0xa0: {  	v3 =	vand.u32 $0x7, v3  }
0xa1: {  	v3 =	vor.u32 v3, v4  }
0xa2: {  	v4 =	vperm.xlane v3, v0;
	_ =	sdelay $0x1  }
0xa3: {  	v4 =	vadd.s32 v1, v4;
	_ =	sdelay $0x3  }
0xa4: {  	v3 =	vperm.xlane v3, v2  }
0xa5: {  	[tilespmem:s14], [sflag:$0x1] =	stream.indirect_vreg.gather [hbm4b:s3+s2], $0x80, v4, vm0, $0xb8;
	[tilespmem:$0x18100] =	vst v63  }
0xa6: {  	v3 =	vadd.s32 v1, v3  }
0xa7: {  	[tilespmem:s15], [sflag:$0x1] =	stream.indirect_vreg.gather [hbm4b:s6+s2], $0x80, v4, vm0, $0xb8;
	[tilespmem:$0x18100] =	vst v63  }
0xa8: {  	_ = 	snop  }
0xa9: {  	[tilespmem:s16], [sflag:$0x1] =	stream.indirect_vreg.gather [hbm4b:s7+s2], $0x80, v4, vm0, $0xb8;
	[tilespmem:$0x18100] =	vst v63  }
0xaa: {  	_ = 	snop  }
0xab: {  	[tilespmem:s17], [sflag:$0x1] =	stream.indirect_vreg.gather [hbm4b:s3+s2], $0x80, v3, vm0, $0xb8;
	[tilespmem:$0x18100] =	vst v63  }
0xac: {  	_ = 	snop  }
0xad: {  	[tilespmem:s18], [sflag:$0x1] =	stream.indirect_vreg.gather [hbm4b:s6+s2], $0x80, v3, vm0, $0xb8;
	[tilespmem:$0x18100] =	vst v63  }
0xae: {  	_ = 	snop  }
0xaf: {  	[tilespmem:s19], [sflag:$0x1] =	stream.indirect_vreg.gather [hbm4b:s7+s2], $0x80, v3, vm0, $0xb8;
	[tilespmem:$0x18100] =	vst v63  }
0xb0: {  	_ =	swait.ge [sflag:s20], $0x18000  }
0xb1: {  	[sflag:s20] =	ssyncset.done $0x0  }
0xb2: {  	s22 =	simm.s32 $0x0;
	s23 =	simm.s32 $0x0;
	[sflag:s20] =	ssyncadd.s32 $0xFFFE8000  }
.LBB2_2:
0xb3: {  	v3 =	vmov s23  }
0xb4: {  	s24 =	sshrl.u32 s23, $0x3  }
0xb5: {  	s24 =	smul.u32 $0x6000, s24;
	_ =	sdelay $0x1  }
0xb6: {  	s25 =	sand.u32 $0x380, s22;
	s24 =	sshra.s32 s24, $0x2  }
0xb7: {  	s24 =	sor.u32 s25, s24;
	v3 =	vld.idx.msk [tilespmem:v3+s11+$0x0], $0xffff  }
0xb8: {  	v4 =	vld [tilespmem:s24+$0x100]  }
0xb9: {  	v5 =	vld [tilespmem:s24+$0x110]  }
0xba: {  	v6 =	vld [tilespmem:s24+$0x120]  }
0xbb: {  	v7 =	vld [tilespmem:s24+$0x130]  }
0xbc: {  	v8 =	vld [tilespmem:s24+$0x140]  }
0xbd: {  	v9 =	vld [tilespmem:s24+$0x150];
	v4 =	vmul.f32 v4, v3  }
0xbe: {  	v10 =	vld [tilespmem:s24+$0x160];
	v5 =	vmul.f32 v5, v3  }
0xbf: {  	v31 =	vld [tilespmem:s24+$0x170];
	v30 =	vmul.f32 v6, v3;
	[tilespmem:s24+$0x100] =	vst v4  }
0xc0: {  	v33 =	vld [tilespmem:s24+$0x500];
	v32 =	vmul.f32 v7, v3;
	[tilespmem:s24+$0x110] =	vst v5  }
0xc1: {  	v35 =	vld [tilespmem:s24+$0x510];
	v34 =	vmul.f32 v8, v3;
	[tilespmem:s24+$0x120] =	vst v30  }
0xc2: {  	v37 =	vld [tilespmem:s24+$0x520];
	v36 =	vmul.f32 v9, v3;
	[tilespmem:s24+$0x130] =	vst v32  }
0xc3: {  	v39 =	vld [tilespmem:s24+$0x530];
	v38 =	vmul.f32 v10, v3;
	[tilespmem:s24+$0x140] =	vst v34  }
0xc4: {  	v41 =	vld [tilespmem:s24+$0x540];
	v40 =	vmul.f32 v31, v3;
	[tilespmem:s24+$0x150] =	vst v36  }
0xc5: {  	v43 =	vld [tilespmem:s24+$0x550];
	v42 =	vmul.f32 v33, v3;
	[tilespmem:s24+$0x160] =	vst v38  }
0xc6: {  	v45 =	vld [tilespmem:s24+$0x560];
	v44 =	vmul.f32 v35, v3;
	[tilespmem:s24+$0x170] =	vst v40  }
0xc7: {  	v47 =	vld [tilespmem:s24+$0x570];
	v46 =	vmul.f32 v37, v3;
	[tilespmem:s24+$0x500] =	vst v42  }
0xc8: {  	v49 =	vld [tilespmem:s24+$0x900];
	v48 =	vmul.f32 v39, v3;
	[tilespmem:s24+$0x510] =	vst v44  }
0xc9: {  	v51 =	vld [tilespmem:s24+$0x910];
	v50 =	vmul.f32 v41, v3;
	[tilespmem:s24+$0x520] =	vst v46  }
0xca: {  	v53 =	vld [tilespmem:s24+$0x920];
	v52 =	vmul.f32 v43, v3;
	[tilespmem:s24+$0x530] =	vst v48  }
0xcb: {  	v55 =	vld [tilespmem:s24+$0x930];
	v54 =	vmul.f32 v45, v3;
	[tilespmem:s24+$0x540] =	vst v50  }
0xcc: {  	v57 =	vld [tilespmem:s24+$0x940];
	v56 =	vmul.f32 v47, v3;
	[tilespmem:s24+$0x550] =	vst v52  }
0xcd: {  	v59 =	vld [tilespmem:s24+$0x950];
	v58 =	vmul.f32 v49, v3;
	[tilespmem:s24+$0x560] =	vst v54  }
0xce: {  	v61 =	vld [tilespmem:s24+$0x960];
	v60 =	vmul.f32 v51, v3;
	[tilespmem:s24+$0x570] =	vst v56  }
0xcf: {  	v63 =	vld [tilespmem:s24+$0x970];
	v62 =	vmul.f32 v53, v3;
	[tilespmem:s24+$0x900] =	vst v58  }
0xd0: {  	v13 =	vld [tilespmem:s24+$0xD00];
	v12 =	vmul.f32 v55, v3;
	[tilespmem:s24+$0x910] =	vst v60  }
0xd1: {  	v15 =	vld [tilespmem:s24+$0xD10];
	v14 =	vmul.f32 v57, v3;
	[tilespmem:s24+$0x920] =	vst v62  }
0xd2: {  	v17 =	vld [tilespmem:s24+$0xD20];
	v16 =	vmul.f32 v59, v3;
	[tilespmem:s24+$0x930] =	vst v12  }
0xd3: {  	v19 =	vld [tilespmem:s24+$0xD30];
	v18 =	vmul.f32 v61, v3;
	[tilespmem:s24+$0x940] =	vst v14  }
0xd4: {  	v21 =	vld [tilespmem:s24+$0xD40];
	v20 =	vmul.f32 v63, v3;
	[tilespmem:s24+$0x950] =	vst v16  }
0xd5: {  	v23 =	vld [tilespmem:s24+$0xD50];
	v22 =	vmul.f32 v13, v3;
	[tilespmem:s24+$0x960] =	vst v18  }
0xd6: {  	v25 =	vld [tilespmem:s24+$0xD60];
	v24 =	vmul.f32 v15, v3;
	[tilespmem:s24+$0x970] =	vst v20  }
0xd7: {  	v27 =	vld [tilespmem:s24+$0xD70];
	v26 =	vmul.f32 v17, v3;
	[tilespmem:s24+$0xD00] =	vst v22  }
0xd8: {  	v29 =	vld [tilespmem:s24+$0x1100];
	v28 =	vmul.f32 v19, v3;
	[tilespmem:s24+$0xD10] =	vst v24  }
0xd9: {  	v31 =	vld [tilespmem:s24+$0x1110];
	[tilespmem:s24+$0xD20] =	vst v26;
	v30 =	vmul.f32 v21, v3  }
0xda: {  	v33 =	vld [tilespmem:s24+$0x1120];
	[tilespmem:s24+$0xD30] =	vst v28;
	v32 =	vmul.f32 v23, v3  }
0xdb: {  	v35 =	vld [tilespmem:s24+$0x1130];
	v34 =	vmul.f32 v25, v3;
	[tilespmem:s24+$0xD40] =	vst v30  }
0xdc: {  	v37 =	vld [tilespmem:s24+$0x1140];
	v36 =	vmul.f32 v27, v3;
	[tilespmem:s24+$0xD50] =	vst v32  }
0xdd: {  	v39 =	vld [tilespmem:s24+$0x1150];
	v38 =	vmul.f32 v29, v3;
	[tilespmem:s24+$0xD60] =	vst v34  }
0xde: {  	v41 =	vld [tilespmem:s24+$0x1160];
	[tilespmem:s24+$0xD70] =	vst v36;
	v40 =	vmul.f32 v31, v3  }
0xdf: {  	v43 =	vld [tilespmem:s24+$0x1170];
	[tilespmem:s24+$0x1100] =	vst v38;
	v42 =	vmul.f32 v33, v3  }
0xe0: {  	v45 =	vld [tilespmem:s24+$0x1500];
	v44 =	vmul.f32 v35, v3;
	[tilespmem:s24+$0x1110] =	vst v40  }
0xe1: {  	v47 =	vld [tilespmem:s24+$0x1510];
	v46 =	vmul.f32 v37, v3;
	[tilespmem:s24+$0x1120] =	vst v42  }
0xe2: {  	v49 =	vld [tilespmem:s24+$0x1520];
	v48 =	vmul.f32 v39, v3;
	[tilespmem:s24+$0x1130] =	vst v44  }
0xe3: {  	v51 =	vld [tilespmem:s24+$0x1530];
	v50 =	vmul.f32 v41, v3;
	[tilespmem:s24+$0x1140] =	vst v46  }
0xe4: {  	v53 =	vld [tilespmem:s24+$0x1540];
	v52 =	vmul.f32 v43, v3;
	[tilespmem:s24+$0x1150] =	vst v48  }
0xe5: {  	v55 =	vld [tilespmem:s24+$0x1550];
	v54 =	vmul.f32 v45, v3;
	[tilespmem:s24+$0x1160] =	vst v50  }
0xe6: {  	v57 =	vld [tilespmem:s24+$0x1560];
	v56 =	vmul.f32 v47, v3;
	[tilespmem:s24+$0x1170] =	vst v52  }
0xe7: {  	v59 =	vld [tilespmem:s24+$0x1570];
	v58 =	vmul.f32 v49, v3;
	[tilespmem:s24+$0x1500] =	vst v54  }
0xe8: {  	v60 =	vmul.f32 v51, v3;
	[tilespmem:s24+$0x1510] =	vst v56  }
0xe9: {  	p0 =	sne.s32 s23, $0x7F;
	v61 =	vmul.f32 v53, v3;
	[tilespmem:s24+$0x1520] =	vst v58  }
.Ltmp0:
0xea: {  	v62 =	vmul.f32 v55, v3;
	[tilespmem:s24+$0x1530] =	vst v60;
	(pc) =	sbr.rel @p0 .LBB2_2-.Ltmp0, $4  }
0xeb: {  	v63 =	vmul.f32 v57, v3;
	[tilespmem:s24+$0x1540] =	vst v61  }
0xec: {  	v3 =	vmul.f32 v59, v3;
	[tilespmem:s24+$0x1550] =	vst v62  }
0xed: {  	[tilespmem:s24+$0x1560] =	vst v63  }
0xee: {  	s22 =	sadd.s32 $0x80, s22;
	s23 =	sadd.s32 $0x1, s23;
	[tilespmem:s24+$0x1570] =	vst v3  }
0xef: {  	s21 =	sadd.s32 $0x1, s21  }
0xf0: {  	p0 =	sne.s32 s21, s9  }
.Ltmp1:
0xf1: {  	_ = 	snop;
	(pc) =	sbr.rel @p0 .LBB2_1-.Ltmp1, $4  }
0xf2: {  	[hbm4b:s8+s2] =	stream.linear.scatter [tilespmem:s12], [sflag:$0x2], $0x18000, $0x38;
	[tilespmem:$0x18100] =	vst v63  }
0xf3: {  	_ =	swait.ge [sflag:s10], $0x18000  }
0xf4: {  	[sflag:s10] =	ssyncset.done $0x0  }
0xf5: {  	[sflag:s10] =	ssyncadd.s32 $0xFFFE8000  }
0xf6: {  	_ =	sfence.sel $0x180000  }
0xf7: {  	[bflag:$0x0] =	sbarrier.arrive $0xFFFF  }
0xf8: {  	_ =	strace $0x9000004A  }
0xf9: {  	s0 =	stileid.u32;
	[bflag:$0x2] =	sbarrier.arrive $0xFFFF  }
0xfa: {  	p0 =	sne.s32 s0, $0x0;
	s0 =	rddreg [dreg:$0x2]  }
0xfb: {  	s0 =	sadd.s32 @!p0 $0x100000, s0  }
0xfc: {  	[sflag:s0] =	ssyncadd.tile.s32 @!p0 $0x1;
	_ =	shalt  }
.Lfunc_end2:
_tile_overlayer_lowered:
.L_overlay_start_2:
0xfd: {  	(tag) =	ssettag $0x2  }
0xfe: {  	s0 =	rddreg [dreg:$0x0];
	s2 =	stileid.u32  }
0xff: {  	s1 =	rddreg [dreg:$0x1];
	p0 =	sne.s32 s2, $0x0  }
0x100: {  	s3 =	rddreg [dreg:$0x2];
	[bflag:$0x3] =	sbarrier.arrive $0xFFFF;
	s2 =	simm.s32 @!p0 $0x1C02  }
0x101: {  	[timem:s3], [sflag:s2] =	dma.local @!p0 [hbm:s0], s1  }
0x102: {  	s0 =	simm.s32 @!p0 $0x2  }
0x103: {  	_ =	swait.ge @!p0 [sflag:s0], s1  }
0x104: {  	s1 =	ssub.s32 @!p0 $0x0, s1;
	[sflag:s0] =	ssyncset.done @!p0 $0x0  }
0x105: {  	[sflag:s0] =	ssyncadd.s32 @!p0 s1  }
0x106: {  	[bflag:$0x3] =	sbarrier.arrive $0xFFFF  }
0x107: {  	_ =	shalt  }

</sc_bundles>
